<compile_context>
chip_gen: v7x
topology: tpu7x:2x2x1
jax: 0.10.2.dev20260603
libtpu: 0.0.44.dev20260713+nightly
codegen_flags: <defaults>
</compile_context>

<pallas_src>
import functools

import jax
import jax.numpy as jnp
from jax import lax
from jax.experimental import pallas as pl
from jax.experimental.pallas import tpu as pltpu
from jax.experimental.pallas import tpu_sc as plsc

D = 32
CHUNK = 1600
SPLIT = 2
SUB = CHUNK // SPLIT


@functools.lru_cache(maxsize=None)
def _make(n_rows: int):
  info = plsc.get_sparse_core_info()
  nc, ns = info.num_cores, info.num_subcores
  nw = nc * ns
  rows_per_w = n_rows // nw
  assert rows_per_w * nw == n_rows
  nchunks = rows_per_w // CHUNK
  assert nchunks * CHUNK == rows_per_w and nchunks % 2 == 0
  mesh = plsc.VectorSubcoreMesh(core_axis_name="c", subcore_axis_name="s")

  @functools.partial(
      pl.kernel,
      mesh=mesh,
      out_type=jax.ShapeDtypeStruct((n_rows, D), jnp.float32),
      compiler_params=pltpu.CompilerParams(use_tc_tiling_on_sc=False),
      scratch_types=[
          pltpu.VMEM((2, CHUNK), jnp.int32),
          pltpu.VMEM((2, CHUNK, D), jnp.float32),
          pltpu.SemaphoreType.DMA((2,)),
          pltpu.SemaphoreType.DMA((2,)),
          pltpu.SemaphoreType.DMA((2,)),
      ],
  )
  def gather_kernel(widths_hbm, table_hbm, out_hbm, idx_v, rows_v, sem_i,
                    sem_g, sem_o):
    wid = lax.axis_index("s") * nc + lax.axis_index("c")
    base = wid * rows_per_w

    def start_idx(c, p):
      pltpu.async_copy(widths_hbm.at[pl.ds(base + c * CHUNK, CHUNK)],
                       idx_v.at[p], sem_i.at[p])

    def wait_idx(p):
      pltpu.make_async_copy(widths_hbm.at[pl.ds(base, CHUNK)], idx_v.at[p],
                            sem_i.at[p]).wait()

    def start_gather(p):
      for s in range(SPLIT):
        pltpu.async_copy(table_hbm.at[idx_v.at[p, pl.ds(s * SUB, SUB)]],
                         rows_v.at[p, pl.ds(s * SUB, SUB)], sem_g.at[p])

    def wait_gather(p):
      for s in range(SPLIT):
        pltpu.make_async_copy(table_hbm.at[idx_v.at[p, pl.ds(s * SUB, SUB)]],
                              rows_v.at[p, pl.ds(s * SUB, SUB)],
                              sem_g.at[p]).wait()

    def start_out(c, p):
      pltpu.async_copy(rows_v.at[p],
                       out_hbm.at[pl.ds(base + c * CHUNK, CHUNK)],
                       sem_o.at[p])

    def wait_out(p):
      pltpu.make_async_copy(rows_v.at[p], out_hbm.at[pl.ds(base, CHUNK)],
                            sem_o.at[p]).wait()

    start_idx(0, 0)
    start_idx(1, 1)
    wait_idx(0)
    start_gather(0)

    def body(gg, carry):
      for p in range(2):
        c = gg * 2 + p
        q = 1 - p

        @pl.when(c + 1 < nchunks)
        def _():
          wait_idx(q)

          @pl.when(c + 1 >= 2)
          def _():
            wait_out(q)

          start_gather(q)

        wait_gather(p)
        start_out(c, p)

        @pl.when(c + 2 < nchunks)
        def _():
          start_idx_c2 = c + 2
          pltpu.async_copy(
              widths_hbm.at[pl.ds(base + start_idx_c2 * CHUNK, CHUNK)],
              idx_v.at[p], sem_i.at[p])

      return carry

    lax.fori_loop(0, nchunks // 2, body, 0)
    wait_out(0)
    wait_out(1)

  return gather_kernel


def kernel(widths, table):
  b, h = widths.shape
  n_rows = b * h
  flat = widths.reshape(n_rows)
  out = _make(n_rows)(flat, table)
  return out.reshape(b, h, D)

# --- scband reference (transcript-rebuilt; emitter-appended) ---
"""Pipeline reference for scband-width-61607010894554 (READ-ONLY COPY).

The authoritative reference and input builder live on the scoring server;
editing this copy changes nothing except your own understanding.
"""

import jax, jax.numpy as jnp
import numpy as np

L = 1000000
WIDTH_DIM = 32
B = 16384
H = 200

def setup_inputs(seed: int = 0) -> dict:
    key = jax.random.key(seed)
    k1, k2 = jax.random.split(key)
    widths = jax.random.randint(k1, (B, H), 0, L, dtype=jnp.int64 if jax.config.jax_enable_x64 else jnp.int32).astype(jnp.int32)
    table = jax.random.normal(k2, (L, WIDTH_DIM), dtype=jnp.float32)
    return {"widths": widths, "table": table}

def reference(widths, table):
    # nn.Sequential(nn.Embedding(L, width_dim)) forward == embedding lookup
    return jnp.take(table, widths, axis=0)

if __name__ == "__main__":
    import jax
    _d = setup_inputs()
    print(jax.jit(kernel)(*tuple(_d.values())))

</pallas_src>

<mosaic_0001>
#map = affine_map<(d0, d1) -> (0)>
#map1 = affine_map<(d0, d1) -> (0, 0)>
module attributes {stable_mosaic.version = 14 : i64} {
  func.func @gather_kernel(%arg0: i32, %arg1: i32, %arg2: memref<3276800xi32, #tpu.memory_space<hbm>>, %arg3: memref<1000000x32xf32, #tpu.memory_space<hbm>>, %arg4: memref<3276800x32xf32, #tpu.memory_space<hbm>>, %arg5: memref<2x1600xi32, #tpu.memory_space<vmem>>, %arg6: memref<2x1600x32xf32, #tpu.memory_space<vmem>>, %arg7: memref<2x!tpu.dma_semaphore, #tpu.memory_space<semaphore_mem>>, %arg8: memref<2x!tpu.dma_semaphore, #tpu.memory_space<semaphore_mem>>, %arg9: memref<2x!tpu.dma_semaphore, #tpu.memory_space<semaphore_mem>>) attributes {dimension_semantics = [#tpu.dimension_semantics<core_parallel>, #tpu.dimension_semantics<subcore_parallel>], iteration_bounds = array<i64: 2, 16>, scalar_prefetch = 0 : i64, scratch_operands = 5 : i64, tpu.core_type = #tpu.core_type<sc_vector_subcore>, window_params = [{transform_indices = #map}, {transform_indices = #map1}, {transform_indices = #map1}]} {
    %mul3A = arith.constant 2 : i32
    %mul3A_0 = arith.muli %arg1, %mul3A : i32
    %add3A = arith.addi %mul3A_0, %arg0 : i32
    %mul3A_1 = arith.constant 102400 : i32
    %mul3A_2 = arith.muli %add3A, %mul3A_1 : i32
    %add3A_3 = arith.constant 0 : i32
    %add3A_4 = arith.addi %mul3A_2, %add3A_3 : i32
    %dma_start3A = arith.constant 0 : i32
    %dma_start3A_5 = arith.constant 0 : i32
    %dma_start3A_6 = arith.constant 0 : i32
    %dma_start3A_7 = tpu.memref_slice %arg5[%dma_start3A, %dma_start3A_6] : memref<2x1600xi32, #tpu.memory_space<vmem>> -> memref<1x1600xi32, #tpu.memory_space<vmem>>
    %dma_start3A_8 = tpu.memref_squeeze %dma_start3A_7 : memref<1x1600xi32, #tpu.memory_space<vmem>> -> memref<1600xi32, #tpu.memory_space<vmem>>
    %dma_start3A_9 = tpu.memref_slice %arg2[%add3A_4] : memref<3276800xi32, #tpu.memory_space<hbm>> -> memref<1600xi32, #tpu.memory_space<hbm>>
    %dma_start3A_10 = tpu.memref_slice %arg7[%dma_start3A_5] : memref<2x!tpu.dma_semaphore, #tpu.memory_space<semaphore_mem>> -> memref<1x!tpu.dma_semaphore, #tpu.memory_space<semaphore_mem>>
    %dma_start3A_11 = tpu.memref_squeeze %dma_start3A_10 : memref<1x!tpu.dma_semaphore, #tpu.memory_space<semaphore_mem>> -> memref<!tpu.dma_semaphore, #tpu.memory_space<semaphore_mem>>
    %dma_start3A_12 = arith.constant 0 : i32
    %dma_start3A_13 = tpu.memref_slice %arg5[%dma_start3A, %dma_start3A_12] : memref<2x1600xi32, #tpu.memory_space<vmem>> -> memref<1x1600xi32, #tpu.memory_space<vmem>>
    %dma_start3A_14 = tpu.memref_squeeze %dma_start3A_13 : memref<1x1600xi32, #tpu.memory_space<vmem>> -> memref<1600xi32, #tpu.memory_space<vmem>>
    %dma_start3A_15 = tpu.memref_slice %arg2[%add3A_4] : memref<3276800xi32, #tpu.memory_space<hbm>> -> memref<1600xi32, #tpu.memory_space<hbm>>
    tpu.enqueue_dma source(%dma_start3A_15 : memref<1600xi32, #tpu.memory_space<hbm>>) target(%dma_start3A_14 : memref<1600xi32, #tpu.memory_space<vmem>>) target_semaphore(%dma_start3A_11 : memref<!tpu.dma_semaphore, #tpu.memory_space<semaphore_mem>>)
    %add3A_16 = arith.constant 1600 : i32
    %add3A_17 = arith.addi %mul3A_2, %add3A_16 : i32
    %dma_start3A_18 = arith.constant 1 : i32
    %dma_start3A_19 = arith.constant 1 : i32
    %dma_start3A_20 = arith.constant 0 : i32
    %dma_start3A_21 = tpu.memref_slice %arg5[%dma_start3A_18, %dma_start3A_20] : memref<2x1600xi32, #tpu.memory_space<vmem>> -> memref<1x1600xi32, #tpu.memory_space<vmem>>
    %dma_start3A_22 = tpu.memref_squeeze %dma_start3A_21 : memref<1x1600xi32, #tpu.memory_space<vmem>> -> memref<1600xi32, #tpu.memory_space<vmem>>
    %dma_start3A_23 = tpu.memref_slice %arg2[%add3A_17] : memref<3276800xi32, #tpu.memory_space<hbm>> -> memref<1600xi32, #tpu.memory_space<hbm>>
    %dma_start3A_24 = tpu.memref_slice %arg7[%dma_start3A_19] : memref<2x!tpu.dma_semaphore, #tpu.memory_space<semaphore_mem>> -> memref<1x!tpu.dma_semaphore, #tpu.memory_space<semaphore_mem>>
    %dma_start3A_25 = tpu.memref_squeeze %dma_start3A_24 : memref<1x!tpu.dma_semaphore, #tpu.memory_space<semaphore_mem>> -> memref<!tpu.dma_semaphore, #tpu.memory_space<semaphore_mem>>
    %dma_start3A_26 = arith.constant 0 : i32
    %dma_start3A_27 = tpu.memref_slice %arg5[%dma_start3A_18, %dma_start3A_26] : memref<2x1600xi32, #tpu.memory_space<vmem>> -> memref<1x1600xi32, #tpu.memory_space<vmem>>
    %dma_start3A_28 = tpu.memref_squeeze %dma_start3A_27 : memref<1x1600xi32, #tpu.memory_space<vmem>> -> memref<1600xi32, #tpu.memory_space<vmem>>
    %dma_start3A_29 = tpu.memref_slice %arg2[%add3A_17] : memref<3276800xi32, #tpu.memory_space<hbm>> -> memref<1600xi32, #tpu.memory_space<hbm>>
    tpu.enqueue_dma source(%dma_start3A_29 : memref<1600xi32, #tpu.memory_space<hbm>>) target(%dma_start3A_28 : memref<1600xi32, #tpu.memory_space<vmem>>) target_semaphore(%dma_start3A_25 : memref<!tpu.dma_semaphore, #tpu.memory_space<semaphore_mem>>)
    %dma_wait3A = arith.constant 0 : i32
    %dma_wait3A_30 = arith.constant 0 : i32
    %dma_wait3A_31 = arith.constant 0 : i32
    %dma_wait3A_32 = tpu.memref_slice %arg5[%dma_wait3A, %dma_wait3A_31] : memref<2x1600xi32, #tpu.memory_space<vmem>> -> memref<1x1600xi32, #tpu.memory_space<vmem>>
    %dma_wait3A_33 = tpu.memref_squeeze %dma_wait3A_32 : memref<1x1600xi32, #tpu.memory_space<vmem>> -> memref<1600xi32, #tpu.memory_space<vmem>>
    %dma_wait3A_34 = tpu.memref_slice %arg2[%mul3A_2] : memref<3276800xi32, #tpu.memory_space<hbm>> -> memref<1600xi32, #tpu.memory_space<hbm>>
    %dma_wait3A_35 = tpu.memref_slice %arg7[%dma_wait3A_30] : memref<2x!tpu.dma_semaphore, #tpu.memory_space<semaphore_mem>> -> memref<1x!tpu.dma_semaphore, #tpu.memory_space<semaphore_mem>>
    %dma_wait3A_36 = tpu.memref_squeeze %dma_wait3A_35 : memref<1x!tpu.dma_semaphore, #tpu.memory_space<semaphore_mem>> -> memref<!tpu.dma_semaphore, #tpu.memory_space<semaphore_mem>>
    %dma_wait3A_37 = arith.constant 0 : i32
    %dma_wait3A_38 = tpu.memref_slice %arg5[%dma_wait3A, %dma_wait3A_37] : memref<2x1600xi32, #tpu.memory_space<vmem>> -> memref<1x1600xi32, #tpu.memory_space<vmem>>
    %dma_wait3A_39 = tpu.memref_squeeze %dma_wait3A_38 : memref<1x1600xi32, #tpu.memory_space<vmem>> -> memref<1600xi32, #tpu.memory_space<vmem>>
    %dma_wait3A_40 = tpu.memref_slice %arg2[%mul3A_2] : memref<3276800xi32, #tpu.memory_space<hbm>> -> memref<1600xi32, #tpu.memory_space<hbm>>
    tpu.wait_dma2 semaphore(%dma_wait3A_36 : memref<!tpu.dma_semaphore, #tpu.memory_space<semaphore_mem>>) src(%dma_wait3A_40 : memref<1600xi32, #tpu.memory_space<hbm>>) dst(%dma_wait3A_39 : memref<1600xi32, #tpu.memory_space<vmem>>)
    %dma_start3A_41 = arith.constant 0 : i32
    %dma_start3A_42 = arith.constant 0 : i32
    %dma_start3A_43 = arith.constant 0 : i32
    %dma_start3A_44 = arith.constant 0 : i32
    %dma_start3A_45 = arith.constant 0 : i32
    %dma_start3A_46 = tpu.memref_slice %arg6[%dma_start3A_42, %dma_start3A_44, %dma_start3A_45] : memref<2x1600x32xf32, #tpu.memory_space<vmem>> -> memref<1x800x32xf32, #tpu.memory_space<vmem>>
    %dma_start3A_47 = tpu.memref_squeeze %dma_start3A_46 : memref<1x800x32xf32, #tpu.memory_space<vmem>> -> memref<800x32xf32, #tpu.memory_space<vmem>>
    %dma_start3A_48 = arith.constant 0 : i32
    %dma_start3A_49 = tpu.memref_slice %arg5[%dma_start3A_41, %dma_start3A_48] : memref<2x1600xi32, #tpu.memory_space<vmem>> -> memref<1x800xi32, #tpu.memory_space<vmem>>
    %dma_start3A_50 = tpu.memref_squeeze %dma_start3A_49 : memref<1x800xi32, #tpu.memory_space<vmem>> -> memref<800xi32, #tpu.memory_space<vmem>>
    %dma_start3A_51 = arith.constant 0 : i32
    %dma_start3A_52 = arith.constant 0 : i32
    %dma_start3A_53 = tpu.memref_slice %arg3[%dma_start3A_51, %dma_start3A_52] : memref<1000000x32xf32, #tpu.memory_space<hbm>> -> memref<1000000x32xf32, #tpu.memory_space<hbm>>
    %dma_start3A_54 = tpu.memref_slice %arg8[%dma_start3A_43] : memref<2x!tpu.dma_semaphore, #tpu.memory_space<semaphore_mem>> -> memref<1x!tpu.dma_semaphore, #tpu.memory_space<semaphore_mem>>
    %dma_start3A_55 = tpu.memref_squeeze %dma_start3A_54 : memref<1x!tpu.dma_semaphore, #tpu.memory_space<semaphore_mem>> -> memref<!tpu.dma_semaphore, #tpu.memory_space<semaphore_mem>>
    tpu.enqueue_indirect_dma source(%dma_start3A_53 : memref<1000000x32xf32, #tpu.memory_space<hbm>>) target(%dma_start3A_47 : memref<800x32xf32, #tpu.memory_space<vmem>>) offsets(%dma_start3A_50 : memref<800xi32, #tpu.memory_space<vmem>>) semaphore(%dma_start3A_55 : memref<!tpu.dma_semaphore, #tpu.memory_space<semaphore_mem>>)
    %dma_start3A_56 = arith.constant 0 : i32
    %dma_start3A_57 = arith.constant 0 : i32
    %dma_start3A_58 = arith.constant 0 : i32
    %dma_start3A_59 = arith.constant 800 : i32
    %dma_start3A_60 = arith.constant 0 : i32
    %dma_start3A_61 = tpu.memref_slice %arg6[%dma_start3A_57, %dma_start3A_59, %dma_start3A_60] : memref<2x1600x32xf32, #tpu.memory_space<vmem>> -> memref<1x800x32xf32, #tpu.memory_space<vmem>>
    %dma_start3A_62 = tpu.memref_squeeze %dma_start3A_61 : memref<1x800x32xf32, #tpu.memory_space<vmem>> -> memref<800x32xf32, #tpu.memory_space<vmem>>
    %dma_start3A_63 = arith.constant 800 : i32
    %dma_start3A_64 = tpu.memref_slice %arg5[%dma_start3A_56, %dma_start3A_63] : memref<2x1600xi32, #tpu.memory_space<vmem>> -> memref<1x800xi32, #tpu.memory_space<vmem>>
    %dma_start3A_65 = tpu.memref_squeeze %dma_start3A_64 : memref<1x800xi32, #tpu.memory_space<vmem>> -> memref<800xi32, #tpu.memory_space<vmem>>
    %dma_start3A_66 = arith.constant 0 : i32
    %dma_start3A_67 = arith.constant 0 : i32
    %dma_start3A_68 = tpu.memref_slice %arg3[%dma_start3A_66, %dma_start3A_67] : memref<1000000x32xf32, #tpu.memory_space<hbm>> -> memref<1000000x32xf32, #tpu.memory_space<hbm>>
    %dma_start3A_69 = tpu.memref_slice %arg8[%dma_start3A_58] : memref<2x!tpu.dma_semaphore, #tpu.memory_space<semaphore_mem>> -> memref<1x!tpu.dma_semaphore, #tpu.memory_space<semaphore_mem>>
    %dma_start3A_70 = tpu.memref_squeeze %dma_start3A_69 : memref<1x!tpu.dma_semaphore, #tpu.memory_space<semaphore_mem>> -> memref<!tpu.dma_semaphore, #tpu.memory_space<semaphore_mem>>
    tpu.enqueue_indirect_dma source(%dma_start3A_68 : memref<1000000x32xf32, #tpu.memory_space<hbm>>) target(%dma_start3A_62 : memref<800x32xf32, #tpu.memory_space<vmem>>) offsets(%dma_start3A_65 : memref<800xi32, #tpu.memory_space<vmem>>) semaphore(%dma_start3A_70 : memref<!tpu.dma_semaphore, #tpu.memory_space<semaphore_mem>>)
    %scan3A = arith.constant 0 : i32
    %scan3A_71 = arith.constant 0 : i32
    %scan3A_72 = arith.constant 32 : i32
    %scan3A_73 = arith.addi %scan3A_71, %scan3A_72 : i32
    %scan3A_74 = arith.constant 1 : i32
    scf.for %scan3A_108 = %scan3A_71 to %scan3A_73 step %scan3A_74  : i32 {
      %mul3A_109 = arith.constant 2 : i32
      %mul3A_110 = arith.muli %scan3A_108, %mul3A_109 : i32
      %add3A_111 = arith.constant 0 : i32
      %add3A_112 = arith.addi %mul3A_110, %add3A_111 : i32
      %add3A_113 = arith.constant 1 : i32
      %add3A_114 = arith.addi %add3A_112, %add3A_113 : i32
      %lt3A = arith.constant 64 : i32
      %lt3A_115 = arith.cmpi slt, %add3A_114, %lt3A : i32
      %convert_element_type3A = arith.extui %lt3A_115 : i1 to i32
      %cond3A = arith.constant 0 : i32
      %cond3A_116 = arith.cmpi ne, %convert_element_type3A, %cond3A : i32
      scf.if %cond3A_116 {
        %dma_wait3A_240 = arith.constant 1 : i32
        %dma_wait3A_241 = arith.constant 1 : i32
        %dma_wait3A_242 = arith.constant 0 : i32
        %dma_wait3A_243 = tpu.memref_slice %arg5[%dma_wait3A_240, %dma_wait3A_242] : memref<2x1600xi32, #tpu.memory_space<vmem>> -> memref<1x1600xi32, #tpu.memory_space<vmem>>
        %dma_wait3A_244 = tpu.memref_squeeze %dma_wait3A_243 : memref<1x1600xi32, #tpu.memory_space<vmem>> -> memref<1600xi32, #tpu.memory_space<vmem>>
        %dma_wait3A_245 = tpu.memref_slice %arg2[%mul3A_2] : memref<3276800xi32, #tpu.memory_space<hbm>> -> memref<1600xi32, #tpu.memory_space<hbm>>
        %dma_wait3A_246 = tpu.memref_slice %arg7[%dma_wait3A_241] : memref<2x!tpu.dma_semaphore, #tpu.memory_space<semaphore_mem>> -> memref<1x!tpu.dma_semaphore, #tpu.memory_space<semaphore_mem>>
        %dma_wait3A_247 = tpu.memref_squeeze %dma_wait3A_246 : memref<1x!tpu.dma_semaphore, #tpu.memory_space<semaphore_mem>> -> memref<!tpu.dma_semaphore, #tpu.memory_space<semaphore_mem>>
        %dma_wait3A_248 = arith.constant 0 : i32
        %dma_wait3A_249 = tpu.memref_slice %arg5[%dma_wait3A_240, %dma_wait3A_248] : memref<2x1600xi32, #tpu.memory_space<vmem>> -> memref<1x1600xi32, #tpu.memory_space<vmem>>
        %dma_wait3A_250 = tpu.memref_squeeze %dma_wait3A_249 : memref<1x1600xi32, #tpu.memory_space<vmem>> -> memref<1600xi32, #tpu.memory_space<vmem>>
        %dma_wait3A_251 = tpu.memref_slice %arg2[%mul3A_2] : memref<3276800xi32, #tpu.memory_space<hbm>> -> memref<1600xi32, #tpu.memory_space<hbm>>
        tpu.wait_dma2 semaphore(%dma_wait3A_247 : memref<!tpu.dma_semaphore, #tpu.memory_space<semaphore_mem>>) src(%dma_wait3A_251 : memref<1600xi32, #tpu.memory_space<hbm>>) dst(%dma_wait3A_250 : memref<1600xi32, #tpu.memory_space<vmem>>)
        %add3A_252 = arith.constant 1 : i32
        %add3A_253 = arith.addi %add3A_112, %add3A_252 : i32
        %ge3A = arith.constant 2 : i32
        %ge3A_254 = arith.cmpi sge, %add3A_253, %ge3A : i32
        %convert_element_type3A_255 = arith.extui %ge3A_254 : i1 to i32
        %cond3A_256 = arith.constant 0 : i32
        %cond3A_257 = arith.cmpi ne, %convert_element_type3A_255, %cond3A_256 : i32
        scf.if %cond3A_257 {
          %dma_wait3A_288 = arith.constant 1 : i32
          %dma_wait3A_289 = arith.constant 1 : i32
          %dma_wait3A_290 = arith.constant 0 : i32
          %dma_wait3A_291 = arith.constant 0 : i32
          %dma_wait3A_292 = tpu.memref_slice %arg6[%dma_wait3A_288, %dma_wait3A_290, %dma_wait3A_291] : memref<2x1600x32xf32, #tpu.memory_space<vmem>> -> memref<1x1600x32xf32, #tpu.memory_space<vmem>>
          %dma_wait3A_293 = tpu.memref_squeeze %dma_wait3A_292 : memref<1x1600x32xf32, #tpu.memory_space<vmem>> -> memref<1600x32xf32, #tpu.memory_space<vmem>>
          %dma_wait3A_294 = arith.constant 0 : i32
          %dma_wait3A_295 = tpu.memref_slice %arg4[%mul3A_2, %dma_wait3A_294] : memref<3276800x32xf32, #tpu.memory_space<hbm>> -> memref<1600x32xf32, #tpu.memory_space<hbm>>
          %dma_wait3A_296 = tpu.memref_slice %arg9[%dma_wait3A_289] : memref<2x!tpu.dma_semaphore, #tpu.memory_space<semaphore_mem>> -> memref<1x!tpu.dma_semaphore, #tpu.memory_space<semaphore_mem>>
          %dma_wait3A_297 = tpu.memref_squeeze %dma_wait3A_296 : memref<1x!tpu.dma_semaphore, #tpu.memory_space<semaphore_mem>> -> memref<!tpu.dma_semaphore, #tpu.memory_space<semaphore_mem>>
          %dma_wait3A_298 = arith.constant 0 : i32
          %dma_wait3A_299 = tpu.memref_slice %arg4[%mul3A_2, %dma_wait3A_298] : memref<3276800x32xf32, #tpu.memory_space<hbm>> -> memref<1600x32xf32, #tpu.memory_space<hbm>>
          %dma_wait3A_300 = arith.constant 0 : i32
          %dma_wait3A_301 = arith.constant 0 : i32
          %dma_wait3A_302 = tpu.memref_slice %arg6[%dma_wait3A_288, %dma_wait3A_300, %dma_wait3A_301] : memref<2x1600x32xf32, #tpu.memory_space<vmem>> -> memref<1x1600x32xf32, #tpu.memory_space<vmem>>
          %dma_wait3A_303 = tpu.memref_squeeze %dma_wait3A_302 : memref<1x1600x32xf32, #tpu.memory_space<vmem>> -> memref<1600x32xf32, #tpu.memory_space<vmem>>
          tpu.wait_dma2 semaphore(%dma_wait3A_297 : memref<!tpu.dma_semaphore, #tpu.memory_space<semaphore_mem>>) src(%dma_wait3A_303 : memref<1600x32xf32, #tpu.memory_space<vmem>>) dst(%dma_wait3A_299 : memref<1600x32xf32, #tpu.memory_space<hbm>>)
        } else {
        }
        %dma_start3A_258 = arith.constant 1 : i32
        %dma_start3A_259 = arith.constant 1 : i32
        %dma_start3A_260 = arith.constant 1 : i32
        %dma_start3A_261 = arith.constant 0 : i32
        %dma_start3A_262 = arith.constant 0 : i32
        %dma_start3A_263 = tpu.memref_slice %arg6[%dma_start3A_259, %dma_start3A_261, %dma_start3A_262] : memref<2x1600x32xf32, #tpu.memory_space<vmem>> -> memref<1x800x32xf32, #tpu.memory_space<vmem>>
        %dma_start3A_264 = tpu.memref_squeeze %dma_start3A_263 : memref<1x800x32xf32, #tpu.memory_space<vmem>> -> memref<800x32xf32, #tpu.memory_space<vmem>>
        %dma_start3A_265 = arith.constant 0 : i32
        %dma_start3A_266 = tpu.memref_slice %arg5[%dma_start3A_258, %dma_start3A_265] : memref<2x1600xi32, #tpu.memory_space<vmem>> -> memref<1x800xi32, #tpu.memory_space<vmem>>
        %dma_start3A_267 = tpu.memref_squeeze %dma_start3A_266 : memref<1x800xi32, #tpu.memory_space<vmem>> -> memref<800xi32, #tpu.memory_space<vmem>>
        %dma_start3A_268 = arith.constant 0 : i32
        %dma_start3A_269 = arith.constant 0 : i32
        %dma_start3A_270 = tpu.memref_slice %arg3[%dma_start3A_268, %dma_start3A_269] : memref<1000000x32xf32, #tpu.memory_space<hbm>> -> memref<1000000x32xf32, #tpu.memory_space<hbm>>
        %dma_start3A_271 = tpu.memref_slice %arg8[%dma_start3A_260] : memref<2x!tpu.dma_semaphore, #tpu.memory_space<semaphore_mem>> -> memref<1x!tpu.dma_semaphore, #tpu.memory_space<semaphore_mem>>
        %dma_start3A_272 = tpu.memref_squeeze %dma_start3A_271 : memref<1x!tpu.dma_semaphore, #tpu.memory_space<semaphore_mem>> -> memref<!tpu.dma_semaphore, #tpu.memory_space<semaphore_mem>>
        tpu.enqueue_indirect_dma source(%dma_start3A_270 : memref<1000000x32xf32, #tpu.memory_space<hbm>>) target(%dma_start3A_264 : memref<800x32xf32, #tpu.memory_space<vmem>>) offsets(%dma_start3A_267 : memref<800xi32, #tpu.memory_space<vmem>>) semaphore(%dma_start3A_272 : memref<!tpu.dma_semaphore, #tpu.memory_space<semaphore_mem>>)
        %dma_start3A_273 = arith.constant 1 : i32
        %dma_start3A_274 = arith.constant 1 : i32
        %dma_start3A_275 = arith.constant 1 : i32
        %dma_start3A_276 = arith.constant 800 : i32
        %dma_start3A_277 = arith.constant 0 : i32
        %dma_start3A_278 = tpu.memref_slice %arg6[%dma_start3A_274, %dma_start3A_276, %dma_start3A_277] : memref<2x1600x32xf32, #tpu.memory_space<vmem>> -> memref<1x800x32xf32, #tpu.memory_space<vmem>>
        %dma_start3A_279 = tpu.memref_squeeze %dma_start3A_278 : memref<1x800x32xf32, #tpu.memory_space<vmem>> -> memref<800x32xf32, #tpu.memory_space<vmem>>
        %dma_start3A_280 = arith.constant 800 : i32
        %dma_start3A_281 = tpu.memref_slice %arg5[%dma_start3A_273, %dma_start3A_280] : memref<2x1600xi32, #tpu.memory_space<vmem>> -> memref<1x800xi32, #tpu.memory_space<vmem>>
        %dma_start3A_282 = tpu.memref_squeeze %dma_start3A_281 : memref<1x800xi32, #tpu.memory_space<vmem>> -> memref<800xi32, #tpu.memory_space<vmem>>
        %dma_start3A_283 = arith.constant 0 : i32
        %dma_start3A_284 = arith.constant 0 : i32
        %dma_start3A_285 = tpu.memref_slice %arg3[%dma_start3A_283, %dma_start3A_284] : memref<1000000x32xf32, #tpu.memory_space<hbm>> -> memref<1000000x32xf32, #tpu.memory_space<hbm>>
        %dma_start3A_286 = tpu.memref_slice %arg8[%dma_start3A_275] : memref<2x!tpu.dma_semaphore, #tpu.memory_space<semaphore_mem>> -> memref<1x!tpu.dma_semaphore, #tpu.memory_space<semaphore_mem>>
        %dma_start3A_287 = tpu.memref_squeeze %dma_start3A_286 : memref<1x!tpu.dma_semaphore, #tpu.memory_space<semaphore_mem>> -> memref<!tpu.dma_semaphore, #tpu.memory_space<semaphore_mem>>
        tpu.enqueue_indirect_dma source(%dma_start3A_285 : memref<1000000x32xf32, #tpu.memory_space<hbm>>) target(%dma_start3A_279 : memref<800x32xf32, #tpu.memory_space<vmem>>) offsets(%dma_start3A_282 : memref<800xi32, #tpu.memory_space<vmem>>) semaphore(%dma_start3A_287 : memref<!tpu.dma_semaphore, #tpu.memory_space<semaphore_mem>>)
      } else {
      }
      %dma_wait3A_117 = arith.constant 0 : i32
      %dma_wait3A_118 = arith.constant 0 : i32
      %dma_wait3A_119 = arith.constant 0 : i32
      %dma_wait3A_120 = arith.constant 0 : i32
      %dma_wait3A_121 = arith.constant 0 : i32
      %dma_wait3A_122 = tpu.memref_slice %arg6[%dma_wait3A_118, %dma_wait3A_120, %dma_wait3A_121] : memref<2x1600x32xf32, #tpu.memory_space<vmem>> -> memref<1x800x32xf32, #tpu.memory_space<vmem>>
      %dma_wait3A_123 = tpu.memref_squeeze %dma_wait3A_122 : memref<1x800x32xf32, #tpu.memory_space<vmem>> -> memref<800x32xf32, #tpu.memory_space<vmem>>
      %dma_wait3A_124 = arith.constant 0 : i32
      %dma_wait3A_125 = tpu.memref_slice %arg5[%dma_wait3A_117, %dma_wait3A_124] : memref<2x1600xi32, #tpu.memory_space<vmem>> -> memref<1x800xi32, #tpu.memory_space<vmem>>
      %dma_wait3A_126 = tpu.memref_squeeze %dma_wait3A_125 : memref<1x800xi32, #tpu.memory_space<vmem>> -> memref<800xi32, #tpu.memory_space<vmem>>
      %dma_wait3A_127 = arith.constant 0 : i32
      %dma_wait3A_128 = arith.constant 0 : i32
      %dma_wait3A_129 = tpu.memref_slice %arg3[%dma_wait3A_127, %dma_wait3A_128] : memref<1000000x32xf32, #tpu.memory_space<hbm>> -> memref<1000000x32xf32, #tpu.memory_space<hbm>>
      %dma_wait3A_130 = tpu.memref_slice %arg8[%dma_wait3A_119] : memref<2x!tpu.dma_semaphore, #tpu.memory_space<semaphore_mem>> -> memref<1x!tpu.dma_semaphore, #tpu.memory_space<semaphore_mem>>
      %dma_wait3A_131 = tpu.memref_squeeze %dma_wait3A_130 : memref<1x!tpu.dma_semaphore, #tpu.memory_space<semaphore_mem>> -> memref<!tpu.dma_semaphore, #tpu.memory_space<semaphore_mem>>
      tpu.wait_indirect_dma semaphore(%dma_wait3A_131 : memref<!tpu.dma_semaphore, #tpu.memory_space<semaphore_mem>>) src(%dma_wait3A_129 : memref<1000000x32xf32, #tpu.memory_space<hbm>>) dst(%dma_wait3A_123 : memref<800x32xf32, #tpu.memory_space<vmem>>)
      %dma_wait3A_132 = arith.constant 0 : i32
      %dma_wait3A_133 = arith.constant 0 : i32
      %dma_wait3A_134 = arith.constant 0 : i32
      %dma_wait3A_135 = arith.constant 800 : i32
      %dma_wait3A_136 = arith.constant 0 : i32
      %dma_wait3A_137 = tpu.memref_slice %arg6[%dma_wait3A_133, %dma_wait3A_135, %dma_wait3A_136] : memref<2x1600x32xf32, #tpu.memory_space<vmem>> -> memref<1x800x32xf32, #tpu.memory_space<vmem>>
      %dma_wait3A_138 = tpu.memref_squeeze %dma_wait3A_137 : memref<1x800x32xf32, #tpu.memory_space<vmem>> -> memref<800x32xf32, #tpu.memory_space<vmem>>
      %dma_wait3A_139 = arith.constant 800 : i32
      %dma_wait3A_140 = tpu.memref_slice %arg5[%dma_wait3A_132, %dma_wait3A_139] : memref<2x1600xi32, #tpu.memory_space<vmem>> -> memref<1x800xi32, #tpu.memory_space<vmem>>
      %dma_wait3A_141 = tpu.memref_squeeze %dma_wait3A_140 : memref<1x800xi32, #tpu.memory_space<vmem>> -> memref<800xi32, #tpu.memory_space<vmem>>
      %dma_wait3A_142 = arith.constant 0 : i32
      %dma_wait3A_143 = arith.constant 0 : i32
      %dma_wait3A_144 = tpu.memref_slice %arg3[%dma_wait3A_142, %dma_wait3A_143] : memref<1000000x32xf32, #tpu.memory_space<hbm>> -> memref<1000000x32xf32, #tpu.memory_space<hbm>>
      %dma_wait3A_145 = tpu.memref_slice %arg8[%dma_wait3A_134] : memref<2x!tpu.dma_semaphore, #tpu.memory_space<semaphore_mem>> -> memref<1x!tpu.dma_semaphore, #tpu.memory_space<semaphore_mem>>
      %dma_wait3A_146 = tpu.memref_squeeze %dma_wait3A_145 : memref<1x!tpu.dma_semaphore, #tpu.memory_space<semaphore_mem>> -> memref<!tpu.dma_semaphore, #tpu.memory_space<semaphore_mem>>
      tpu.wait_indirect_dma semaphore(%dma_wait3A_146 : memref<!tpu.dma_semaphore, #tpu.memory_space<semaphore_mem>>) src(%dma_wait3A_144 : memref<1000000x32xf32, #tpu.memory_space<hbm>>) dst(%dma_wait3A_138 : memref<800x32xf32, #tpu.memory_space<vmem>>)
      %mul3A_147 = arith.constant 1600 : i32
      %mul3A_148 = arith.muli %add3A_112, %mul3A_147 : i32
      %add3A_149 = arith.addi %mul3A_2, %mul3A_148 : i32
      %dma_start3A_150 = arith.constant 0 : i32
      %dma_start3A_151 = arith.constant 0 : i32
      %dma_start3A_152 = arith.constant 0 : i32
      %dma_start3A_153 = arith.constant 0 : i32
      %dma_start3A_154 = tpu.memref_slice %arg6[%dma_start3A_150, %dma_start3A_152, %dma_start3A_153] : memref<2x1600x32xf32, #tpu.memory_space<vmem>> -> memref<1x1600x32xf32, #tpu.memory_space<vmem>>
      %dma_start3A_155 = tpu.memref_squeeze %dma_start3A_154 : memref<1x1600x32xf32, #tpu.memory_space<vmem>> -> memref<1600x32xf32, #tpu.memory_space<vmem>>
      %dma_start3A_156 = arith.constant 0 : i32
      %dma_start3A_157 = tpu.memref_slice %arg4[%add3A_149, %dma_start3A_156] : memref<3276800x32xf32, #tpu.memory_space<hbm>> -> memref<1600x32xf32, #tpu.memory_space<hbm>>
      %dma_start3A_158 = tpu.memref_slice %arg9[%dma_start3A_151] : memref<2x!tpu.dma_semaphore, #tpu.memory_space<semaphore_mem>> -> memref<1x!tpu.dma_semaphore, #tpu.memory_space<semaphore_mem>>
      %dma_start3A_159 = tpu.memref_squeeze %dma_start3A_158 : memref<1x!tpu.dma_semaphore, #tpu.memory_space<semaphore_mem>> -> memref<!tpu.dma_semaphore, #tpu.memory_space<semaphore_mem>>
      %dma_start3A_160 = arith.constant 0 : i32
      %dma_start3A_161 = tpu.memref_slice %arg4[%add3A_149, %dma_start3A_160] : memref<3276800x32xf32, #tpu.memory_space<hbm>> -> memref<1600x32xf32, #tpu.memory_space<hbm>>
      %dma_start3A_162 = arith.constant 0 : i32
      %dma_start3A_163 = arith.constant 0 : i32
      %dma_start3A_164 = tpu.memref_slice %arg6[%dma_start3A_150, %dma_start3A_162, %dma_start3A_163] : memref<2x1600x32xf32, #tpu.memory_space<vmem>> -> memref<1x1600x32xf32, #tpu.memory_space<vmem>>
      %dma_start3A_165 = tpu.memref_squeeze %dma_start3A_164 : memref<1x1600x32xf32, #tpu.memory_space<vmem>> -> memref<1600x32xf32, #tpu.memory_space<vmem>>
      tpu.enqueue_dma source(%dma_start3A_165 : memref<1600x32xf32, #tpu.memory_space<vmem>>) target(%dma_start3A_161 : memref<1600x32xf32, #tpu.memory_space<hbm>>) target_semaphore(%dma_start3A_159 : memref<!tpu.dma_semaphore, #tpu.memory_space<semaphore_mem>>)
      %add3A_166 = arith.constant 2 : i32
      %add3A_167 = arith.addi %add3A_112, %add3A_166 : i32
      %lt3A_168 = arith.constant 64 : i32
      %lt3A_169 = arith.cmpi slt, %add3A_167, %lt3A_168 : i32
      %convert_element_type3A_170 = arith.extui %lt3A_169 : i1 to i32
      %cond3A_171 = arith.constant 0 : i32
      %cond3A_172 = arith.cmpi ne, %convert_element_type3A_170, %cond3A_171 : i32
      scf.if %cond3A_172 {
        %add3A_240 = arith.constant 2 : i32
        %add3A_241 = arith.addi %add3A_112, %add3A_240 : i32
        %mul3A_242 = arith.constant 1600 : i32
        %mul3A_243 = arith.muli %add3A_241, %mul3A_242 : i32
        %add3A_244 = arith.addi %mul3A_2, %mul3A_243 : i32
        %dma_start3A_245 = arith.constant 0 : i32
        %dma_start3A_246 = arith.constant 0 : i32
        %dma_start3A_247 = arith.constant 0 : i32
        %dma_start3A_248 = tpu.memref_slice %arg5[%dma_start3A_245, %dma_start3A_247] : memref<2x1600xi32, #tpu.memory_space<vmem>> -> memref<1x1600xi32, #tpu.memory_space<vmem>>
        %dma_start3A_249 = tpu.memref_squeeze %dma_start3A_248 : memref<1x1600xi32, #tpu.memory_space<vmem>> -> memref<1600xi32, #tpu.memory_space<vmem>>
        %dma_start3A_250 = tpu.memref_slice %arg2[%add3A_244] : memref<3276800xi32, #tpu.memory_space<hbm>> -> memref<1600xi32, #tpu.memory_space<hbm>>
        %dma_start3A_251 = tpu.memref_slice %arg7[%dma_start3A_246] : memref<2x!tpu.dma_semaphore, #tpu.memory_space<semaphore_mem>> -> memref<1x!tpu.dma_semaphore, #tpu.memory_space<semaphore_mem>>
        %dma_start3A_252 = tpu.memref_squeeze %dma_start3A_251 : memref<1x!tpu.dma_semaphore, #tpu.memory_space<semaphore_mem>> -> memref<!tpu.dma_semaphore, #tpu.memory_space<semaphore_mem>>
        %dma_start3A_253 = arith.constant 0 : i32
        %dma_start3A_254 = tpu.memref_slice %arg5[%dma_start3A_245, %dma_start3A_253] : memref<2x1600xi32, #tpu.memory_space<vmem>> -> memref<1x1600xi32, #tpu.memory_space<vmem>>
        %dma_start3A_255 = tpu.memref_squeeze %dma_start3A_254 : memref<1x1600xi32, #tpu.memory_space<vmem>> -> memref<1600xi32, #tpu.memory_space<vmem>>
        %dma_start3A_256 = tpu.memref_slice %arg2[%add3A_244] : memref<3276800xi32, #tpu.memory_space<hbm>> -> memref<1600xi32, #tpu.memory_space<hbm>>
        tpu.enqueue_dma source(%dma_start3A_256 : memref<1600xi32, #tpu.memory_space<hbm>>) target(%dma_start3A_255 : memref<1600xi32, #tpu.memory_space<vmem>>) target_semaphore(%dma_start3A_252 : memref<!tpu.dma_semaphore, #tpu.memory_space<semaphore_mem>>)
      } else {
      }
      %mul3A_173 = arith.constant 2 : i32
      %mul3A_174 = arith.muli %scan3A_108, %mul3A_173 : i32
      %add3A_175 = arith.constant 1 : i32
      %add3A_176 = arith.addi %mul3A_174, %add3A_175 : i32
      %add3A_177 = arith.constant 1 : i32
      %add3A_178 = arith.addi %add3A_176, %add3A_177 : i32
      %lt3A_179 = arith.constant 64 : i32
      %lt3A_180 = arith.cmpi slt, %add3A_178, %lt3A_179 : i32
      %convert_element_type3A_181 = arith.extui %lt3A_180 : i1 to i32
      %cond3A_182 = arith.constant 0 : i32
      %cond3A_183 = arith.cmpi ne, %convert_element_type3A_181, %cond3A_182 : i32
      scf.if %cond3A_183 {
        %dma_wait3A_240 = arith.constant 0 : i32
        %dma_wait3A_241 = arith.constant 0 : i32
        %dma_wait3A_242 = arith.constant 0 : i32
        %dma_wait3A_243 = tpu.memref_slice %arg5[%dma_wait3A_240, %dma_wait3A_242] : memref<2x1600xi32, #tpu.memory_space<vmem>> -> memref<1x1600xi32, #tpu.memory_space<vmem>>
        %dma_wait3A_244 = tpu.memref_squeeze %dma_wait3A_243 : memref<1x1600xi32, #tpu.memory_space<vmem>> -> memref<1600xi32, #tpu.memory_space<vmem>>
        %dma_wait3A_245 = tpu.memref_slice %arg2[%mul3A_2] : memref<3276800xi32, #tpu.memory_space<hbm>> -> memref<1600xi32, #tpu.memory_space<hbm>>
        %dma_wait3A_246 = tpu.memref_slice %arg7[%dma_wait3A_241] : memref<2x!tpu.dma_semaphore, #tpu.memory_space<semaphore_mem>> -> memref<1x!tpu.dma_semaphore, #tpu.memory_space<semaphore_mem>>
        %dma_wait3A_247 = tpu.memref_squeeze %dma_wait3A_246 : memref<1x!tpu.dma_semaphore, #tpu.memory_space<semaphore_mem>> -> memref<!tpu.dma_semaphore, #tpu.memory_space<semaphore_mem>>
        %dma_wait3A_248 = arith.constant 0 : i32
        %dma_wait3A_249 = tpu.memref_slice %arg5[%dma_wait3A_240, %dma_wait3A_248] : memref<2x1600xi32, #tpu.memory_space<vmem>> -> memref<1x1600xi32, #tpu.memory_space<vmem>>
        %dma_wait3A_250 = tpu.memref_squeeze %dma_wait3A_249 : memref<1x1600xi32, #tpu.memory_space<vmem>> -> memref<1600xi32, #tpu.memory_space<vmem>>
        %dma_wait3A_251 = tpu.memref_slice %arg2[%mul3A_2] : memref<3276800xi32, #tpu.memory_space<hbm>> -> memref<1600xi32, #tpu.memory_space<hbm>>
        tpu.wait_dma2 semaphore(%dma_wait3A_247 : memref<!tpu.dma_semaphore, #tpu.memory_space<semaphore_mem>>) src(%dma_wait3A_251 : memref<1600xi32, #tpu.memory_space<hbm>>) dst(%dma_wait3A_250 : memref<1600xi32, #tpu.memory_space<vmem>>)
        %add3A_252 = arith.constant 1 : i32
        %add3A_253 = arith.addi %add3A_176, %add3A_252 : i32
        %ge3A = arith.constant 2 : i32
        %ge3A_254 = arith.cmpi sge, %add3A_253, %ge3A : i32
        %convert_element_type3A_255 = arith.extui %ge3A_254 : i1 to i32
        %cond3A_256 = arith.constant 0 : i32
        %cond3A_257 = arith.cmpi ne, %convert_element_type3A_255, %cond3A_256 : i32
        scf.if %cond3A_257 {
          %dma_wait3A_288 = arith.constant 0 : i32
          %dma_wait3A_289 = arith.constant 0 : i32
          %dma_wait3A_290 = arith.constant 0 : i32
          %dma_wait3A_291 = arith.constant 0 : i32
          %dma_wait3A_292 = tpu.memref_slice %arg6[%dma_wait3A_288, %dma_wait3A_290, %dma_wait3A_291] : memref<2x1600x32xf32, #tpu.memory_space<vmem>> -> memref<1x1600x32xf32, #tpu.memory_space<vmem>>
          %dma_wait3A_293 = tpu.memref_squeeze %dma_wait3A_292 : memref<1x1600x32xf32, #tpu.memory_space<vmem>> -> memref<1600x32xf32, #tpu.memory_space<vmem>>
          %dma_wait3A_294 = arith.constant 0 : i32
          %dma_wait3A_295 = tpu.memref_slice %arg4[%mul3A_2, %dma_wait3A_294] : memref<3276800x32xf32, #tpu.memory_space<hbm>> -> memref<1600x32xf32, #tpu.memory_space<hbm>>
          %dma_wait3A_296 = tpu.memref_slice %arg9[%dma_wait3A_289] : memref<2x!tpu.dma_semaphore, #tpu.memory_space<semaphore_mem>> -> memref<1x!tpu.dma_semaphore, #tpu.memory_space<semaphore_mem>>
          %dma_wait3A_297 = tpu.memref_squeeze %dma_wait3A_296 : memref<1x!tpu.dma_semaphore, #tpu.memory_space<semaphore_mem>> -> memref<!tpu.dma_semaphore, #tpu.memory_space<semaphore_mem>>
          %dma_wait3A_298 = arith.constant 0 : i32
          %dma_wait3A_299 = tpu.memref_slice %arg4[%mul3A_2, %dma_wait3A_298] : memref<3276800x32xf32, #tpu.memory_space<hbm>> -> memref<1600x32xf32, #tpu.memory_space<hbm>>
          %dma_wait3A_300 = arith.constant 0 : i32
          %dma_wait3A_301 = arith.constant 0 : i32
          %dma_wait3A_302 = tpu.memref_slice %arg6[%dma_wait3A_288, %dma_wait3A_300, %dma_wait3A_301] : memref<2x1600x32xf32, #tpu.memory_space<vmem>> -> memref<1x1600x32xf32, #tpu.memory_space<vmem>>
          %dma_wait3A_303 = tpu.memref_squeeze %dma_wait3A_302 : memref<1x1600x32xf32, #tpu.memory_space<vmem>> -> memref<1600x32xf32, #tpu.memory_space<vmem>>
          tpu.wait_dma2 semaphore(%dma_wait3A_297 : memref<!tpu.dma_semaphore, #tpu.memory_space<semaphore_mem>>) src(%dma_wait3A_303 : memref<1600x32xf32, #tpu.memory_space<vmem>>) dst(%dma_wait3A_299 : memref<1600x32xf32, #tpu.memory_space<hbm>>)
        } else {
        }
        %dma_start3A_258 = arith.constant 0 : i32
        %dma_start3A_259 = arith.constant 0 : i32
        %dma_start3A_260 = arith.constant 0 : i32
        %dma_start3A_261 = arith.constant 0 : i32
        %dma_start3A_262 = arith.constant 0 : i32
        %dma_start3A_263 = tpu.memref_slice %arg6[%dma_start3A_259, %dma_start3A_261, %dma_start3A_262] : memref<2x1600x32xf32, #tpu.memory_space<vmem>> -> memref<1x800x32xf32, #tpu.memory_space<vmem>>
        %dma_start3A_264 = tpu.memref_squeeze %dma_start3A_263 : memref<1x800x32xf32, #tpu.memory_space<vmem>> -> memref<800x32xf32, #tpu.memory_space<vmem>>
        %dma_start3A_265 = arith.constant 0 : i32
        %dma_start3A_266 = tpu.memref_slice %arg5[%dma_start3A_258, %dma_start3A_265] : memref<2x1600xi32, #tpu.memory_space<vmem>> -> memref<1x800xi32, #tpu.memory_space<vmem>>
        %dma_start3A_267 = tpu.memref_squeeze %dma_start3A_266 : memref<1x800xi32, #tpu.memory_space<vmem>> -> memref<800xi32, #tpu.memory_space<vmem>>
        %dma_start3A_268 = arith.constant 0 : i32
        %dma_start3A_269 = arith.constant 0 : i32
        %dma_start3A_270 = tpu.memref_slice %arg3[%dma_start3A_268, %dma_start3A_269] : memref<1000000x32xf32, #tpu.memory_space<hbm>> -> memref<1000000x32xf32, #tpu.memory_space<hbm>>
        %dma_start3A_271 = tpu.memref_slice %arg8[%dma_start3A_260] : memref<2x!tpu.dma_semaphore, #tpu.memory_space<semaphore_mem>> -> memref<1x!tpu.dma_semaphore, #tpu.memory_space<semaphore_mem>>
        %dma_start3A_272 = tpu.memref_squeeze %dma_start3A_271 : memref<1x!tpu.dma_semaphore, #tpu.memory_space<semaphore_mem>> -> memref<!tpu.dma_semaphore, #tpu.memory_space<semaphore_mem>>
        tpu.enqueue_indirect_dma source(%dma_start3A_270 : memref<1000000x32xf32, #tpu.memory_space<hbm>>) target(%dma_start3A_264 : memref<800x32xf32, #tpu.memory_space<vmem>>) offsets(%dma_start3A_267 : memref<800xi32, #tpu.memory_space<vmem>>) semaphore(%dma_start3A_272 : memref<!tpu.dma_semaphore, #tpu.memory_space<semaphore_mem>>)
        %dma_start3A_273 = arith.constant 0 : i32
        %dma_start3A_274 = arith.constant 0 : i32
        %dma_start3A_275 = arith.constant 0 : i32
        %dma_start3A_276 = arith.constant 800 : i32
        %dma_start3A_277 = arith.constant 0 : i32
        %dma_start3A_278 = tpu.memref_slice %arg6[%dma_start3A_274, %dma_start3A_276, %dma_start3A_277] : memref<2x1600x32xf32, #tpu.memory_space<vmem>> -> memref<1x800x32xf32, #tpu.memory_space<vmem>>
        %dma_start3A_279 = tpu.memref_squeeze %dma_start3A_278 : memref<1x800x32xf32, #tpu.memory_space<vmem>> -> memref<800x32xf32, #tpu.memory_space<vmem>>
        %dma_start3A_280 = arith.constant 800 : i32
        %dma_start3A_281 = tpu.memref_slice %arg5[%dma_start3A_273, %dma_start3A_280] : memref<2x1600xi32, #tpu.memory_space<vmem>> -> memref<1x800xi32, #tpu.memory_space<vmem>>
        %dma_start3A_282 = tpu.memref_squeeze %dma_start3A_281 : memref<1x800xi32, #tpu.memory_space<vmem>> -> memref<800xi32, #tpu.memory_space<vmem>>
        %dma_start3A_283 = arith.constant 0 : i32
        %dma_start3A_284 = arith.constant 0 : i32
        %dma_start3A_285 = tpu.memref_slice %arg3[%dma_start3A_283, %dma_start3A_284] : memref<1000000x32xf32, #tpu.memory_space<hbm>> -> memref<1000000x32xf32, #tpu.memory_space<hbm>>
        %dma_start3A_286 = tpu.memref_slice %arg8[%dma_start3A_275] : memref<2x!tpu.dma_semaphore, #tpu.memory_space<semaphore_mem>> -> memref<1x!tpu.dma_semaphore, #tpu.memory_space<semaphore_mem>>
        %dma_start3A_287 = tpu.memref_squeeze %dma_start3A_286 : memref<1x!tpu.dma_semaphore, #tpu.memory_space<semaphore_mem>> -> memref<!tpu.dma_semaphore, #tpu.memory_space<semaphore_mem>>
        tpu.enqueue_indirect_dma source(%dma_start3A_285 : memref<1000000x32xf32, #tpu.memory_space<hbm>>) target(%dma_start3A_279 : memref<800x32xf32, #tpu.memory_space<vmem>>) offsets(%dma_start3A_282 : memref<800xi32, #tpu.memory_space<vmem>>) semaphore(%dma_start3A_287 : memref<!tpu.dma_semaphore, #tpu.memory_space<semaphore_mem>>)
      } else {
      }
      %dma_wait3A_184 = arith.constant 1 : i32
      %dma_wait3A_185 = arith.constant 1 : i32
      %dma_wait3A_186 = arith.constant 1 : i32
      %dma_wait3A_187 = arith.constant 0 : i32
      %dma_wait3A_188 = arith.constant 0 : i32
      %dma_wait3A_189 = tpu.memref_slice %arg6[%dma_wait3A_185, %dma_wait3A_187, %dma_wait3A_188] : memref<2x1600x32xf32, #tpu.memory_space<vmem>> -> memref<1x800x32xf32, #tpu.memory_space<vmem>>
      %dma_wait3A_190 = tpu.memref_squeeze %dma_wait3A_189 : memref<1x800x32xf32, #tpu.memory_space<vmem>> -> memref<800x32xf32, #tpu.memory_space<vmem>>
      %dma_wait3A_191 = arith.constant 0 : i32
      %dma_wait3A_192 = tpu.memref_slice %arg5[%dma_wait3A_184, %dma_wait3A_191] : memref<2x1600xi32, #tpu.memory_space<vmem>> -> memref<1x800xi32, #tpu.memory_space<vmem>>
      %dma_wait3A_193 = tpu.memref_squeeze %dma_wait3A_192 : memref<1x800xi32, #tpu.memory_space<vmem>> -> memref<800xi32, #tpu.memory_space<vmem>>
      %dma_wait3A_194 = arith.constant 0 : i32
      %dma_wait3A_195 = arith.constant 0 : i32
      %dma_wait3A_196 = tpu.memref_slice %arg3[%dma_wait3A_194, %dma_wait3A_195] : memref<1000000x32xf32, #tpu.memory_space<hbm>> -> memref<1000000x32xf32, #tpu.memory_space<hbm>>
      %dma_wait3A_197 = tpu.memref_slice %arg8[%dma_wait3A_186] : memref<2x!tpu.dma_semaphore, #tpu.memory_space<semaphore_mem>> -> memref<1x!tpu.dma_semaphore, #tpu.memory_space<semaphore_mem>>
      %dma_wait3A_198 = tpu.memref_squeeze %dma_wait3A_197 : memref<1x!tpu.dma_semaphore, #tpu.memory_space<semaphore_mem>> -> memref<!tpu.dma_semaphore, #tpu.memory_space<semaphore_mem>>
      tpu.wait_indirect_dma semaphore(%dma_wait3A_198 : memref<!tpu.dma_semaphore, #tpu.memory_space<semaphore_mem>>) src(%dma_wait3A_196 : memref<1000000x32xf32, #tpu.memory_space<hbm>>) dst(%dma_wait3A_190 : memref<800x32xf32, #tpu.memory_space<vmem>>)
      %dma_wait3A_199 = arith.constant 1 : i32
      %dma_wait3A_200 = arith.constant 1 : i32
      %dma_wait3A_201 = arith.constant 1 : i32
      %dma_wait3A_202 = arith.constant 800 : i32
      %dma_wait3A_203 = arith.constant 0 : i32
      %dma_wait3A_204 = tpu.memref_slice %arg6[%dma_wait3A_200, %dma_wait3A_202, %dma_wait3A_203] : memref<2x1600x32xf32, #tpu.memory_space<vmem>> -> memref<1x800x32xf32, #tpu.memory_space<vmem>>
      %dma_wait3A_205 = tpu.memref_squeeze %dma_wait3A_204 : memref<1x800x32xf32, #tpu.memory_space<vmem>> -> memref<800x32xf32, #tpu.memory_space<vmem>>
      %dma_wait3A_206 = arith.constant 800 : i32
      %dma_wait3A_207 = tpu.memref_slice %arg5[%dma_wait3A_199, %dma_wait3A_206] : memref<2x1600xi32, #tpu.memory_space<vmem>> -> memref<1x800xi32, #tpu.memory_space<vmem>>
      %dma_wait3A_208 = tpu.memref_squeeze %dma_wait3A_207 : memref<1x800xi32, #tpu.memory_space<vmem>> -> memref<800xi32, #tpu.memory_space<vmem>>
      %dma_wait3A_209 = arith.constant 0 : i32
      %dma_wait3A_210 = arith.constant 0 : i32
      %dma_wait3A_211 = tpu.memref_slice %arg3[%dma_wait3A_209, %dma_wait3A_210] : memref<1000000x32xf32, #tpu.memory_space<hbm>> -> memref<1000000x32xf32, #tpu.memory_space<hbm>>
      %dma_wait3A_212 = tpu.memref_slice %arg8[%dma_wait3A_201] : memref<2x!tpu.dma_semaphore, #tpu.memory_space<semaphore_mem>> -> memref<1x!tpu.dma_semaphore, #tpu.memory_space<semaphore_mem>>
      %dma_wait3A_213 = tpu.memref_squeeze %dma_wait3A_212 : memref<1x!tpu.dma_semaphore, #tpu.memory_space<semaphore_mem>> -> memref<!tpu.dma_semaphore, #tpu.memory_space<semaphore_mem>>
      tpu.wait_indirect_dma semaphore(%dma_wait3A_213 : memref<!tpu.dma_semaphore, #tpu.memory_space<semaphore_mem>>) src(%dma_wait3A_211 : memref<1000000x32xf32, #tpu.memory_space<hbm>>) dst(%dma_wait3A_205 : memref<800x32xf32, #tpu.memory_space<vmem>>)
      %mul3A_214 = arith.constant 1600 : i32
      %mul3A_215 = arith.muli %add3A_176, %mul3A_214 : i32
      %add3A_216 = arith.addi %mul3A_2, %mul3A_215 : i32
      %dma_start3A_217 = arith.constant 1 : i32
      %dma_start3A_218 = arith.constant 1 : i32
      %dma_start3A_219 = arith.constant 0 : i32
      %dma_start3A_220 = arith.constant 0 : i32
      %dma_start3A_221 = tpu.memref_slice %arg6[%dma_start3A_217, %dma_start3A_219, %dma_start3A_220] : memref<2x1600x32xf32, #tpu.memory_space<vmem>> -> memref<1x1600x32xf32, #tpu.memory_space<vmem>>
      %dma_start3A_222 = tpu.memref_squeeze %dma_start3A_221 : memref<1x1600x32xf32, #tpu.memory_space<vmem>> -> memref<1600x32xf32, #tpu.memory_space<vmem>>
      %dma_start3A_223 = arith.constant 0 : i32
      %dma_start3A_224 = tpu.memref_slice %arg4[%add3A_216, %dma_start3A_223] : memref<3276800x32xf32, #tpu.memory_space<hbm>> -> memref<1600x32xf32, #tpu.memory_space<hbm>>
      %dma_start3A_225 = tpu.memref_slice %arg9[%dma_start3A_218] : memref<2x!tpu.dma_semaphore, #tpu.memory_space<semaphore_mem>> -> memref<1x!tpu.dma_semaphore, #tpu.memory_space<semaphore_mem>>
      %dma_start3A_226 = tpu.memref_squeeze %dma_start3A_225 : memref<1x!tpu.dma_semaphore, #tpu.memory_space<semaphore_mem>> -> memref<!tpu.dma_semaphore, #tpu.memory_space<semaphore_mem>>
      %dma_start3A_227 = arith.constant 0 : i32
      %dma_start3A_228 = tpu.memref_slice %arg4[%add3A_216, %dma_start3A_227] : memref<3276800x32xf32, #tpu.memory_space<hbm>> -> memref<1600x32xf32, #tpu.memory_space<hbm>>
      %dma_start3A_229 = arith.constant 0 : i32
      %dma_start3A_230 = arith.constant 0 : i32
      %dma_start3A_231 = tpu.memref_slice %arg6[%dma_start3A_217, %dma_start3A_229, %dma_start3A_230] : memref<2x1600x32xf32, #tpu.memory_space<vmem>> -> memref<1x1600x32xf32, #tpu.memory_space<vmem>>
      %dma_start3A_232 = tpu.memref_squeeze %dma_start3A_231 : memref<1x1600x32xf32, #tpu.memory_space<vmem>> -> memref<1600x32xf32, #tpu.memory_space<vmem>>
      tpu.enqueue_dma source(%dma_start3A_232 : memref<1600x32xf32, #tpu.memory_space<vmem>>) target(%dma_start3A_228 : memref<1600x32xf32, #tpu.memory_space<hbm>>) target_semaphore(%dma_start3A_226 : memref<!tpu.dma_semaphore, #tpu.memory_space<semaphore_mem>>)
      %add3A_233 = arith.constant 2 : i32
      %add3A_234 = arith.addi %add3A_176, %add3A_233 : i32
      %lt3A_235 = arith.constant 64 : i32
      %lt3A_236 = arith.cmpi slt, %add3A_234, %lt3A_235 : i32
      %convert_element_type3A_237 = arith.extui %lt3A_236 : i1 to i32
      %cond3A_238 = arith.constant 0 : i32
      %cond3A_239 = arith.cmpi ne, %convert_element_type3A_237, %cond3A_238 : i32
      scf.if %cond3A_239 {
        %add3A_240 = arith.constant 2 : i32
        %add3A_241 = arith.addi %add3A_176, %add3A_240 : i32
        %mul3A_242 = arith.constant 1600 : i32
        %mul3A_243 = arith.muli %add3A_241, %mul3A_242 : i32
        %add3A_244 = arith.addi %mul3A_2, %mul3A_243 : i32
        %dma_start3A_245 = arith.constant 1 : i32
        %dma_start3A_246 = arith.constant 1 : i32
        %dma_start3A_247 = arith.constant 0 : i32
        %dma_start3A_248 = tpu.memref_slice %arg5[%dma_start3A_245, %dma_start3A_247] : memref<2x1600xi32, #tpu.memory_space<vmem>> -> memref<1x1600xi32, #tpu.memory_space<vmem>>
        %dma_start3A_249 = tpu.memref_squeeze %dma_start3A_248 : memref<1x1600xi32, #tpu.memory_space<vmem>> -> memref<1600xi32, #tpu.memory_space<vmem>>
        %dma_start3A_250 = tpu.memref_slice %arg2[%add3A_244] : memref<3276800xi32, #tpu.memory_space<hbm>> -> memref<1600xi32, #tpu.memory_space<hbm>>
        %dma_start3A_251 = tpu.memref_slice %arg7[%dma_start3A_246] : memref<2x!tpu.dma_semaphore, #tpu.memory_space<semaphore_mem>> -> memref<1x!tpu.dma_semaphore, #tpu.memory_space<semaphore_mem>>
        %dma_start3A_252 = tpu.memref_squeeze %dma_start3A_251 : memref<1x!tpu.dma_semaphore, #tpu.memory_space<semaphore_mem>> -> memref<!tpu.dma_semaphore, #tpu.memory_space<semaphore_mem>>
        %dma_start3A_253 = arith.constant 0 : i32
        %dma_start3A_254 = tpu.memref_slice %arg5[%dma_start3A_245, %dma_start3A_253] : memref<2x1600xi32, #tpu.memory_space<vmem>> -> memref<1x1600xi32, #tpu.memory_space<vmem>>
        %dma_start3A_255 = tpu.memref_squeeze %dma_start3A_254 : memref<1x1600xi32, #tpu.memory_space<vmem>> -> memref<1600xi32, #tpu.memory_space<vmem>>
        %dma_start3A_256 = tpu.memref_slice %arg2[%add3A_244] : memref<3276800xi32, #tpu.memory_space<hbm>> -> memref<1600xi32, #tpu.memory_space<hbm>>
        tpu.enqueue_dma source(%dma_start3A_256 : memref<1600xi32, #tpu.memory_space<hbm>>) target(%dma_start3A_255 : memref<1600xi32, #tpu.memory_space<vmem>>) target_semaphore(%dma_start3A_252 : memref<!tpu.dma_semaphore, #tpu.memory_space<semaphore_mem>>)
      } else {
      }
    }
    %scan3A_75 = arith.constant 32 : i32
    %dma_wait3A_76 = arith.constant 0 : i32
    %dma_wait3A_77 = arith.constant 0 : i32
    %dma_wait3A_78 = arith.constant 0 : i32
    %dma_wait3A_79 = arith.constant 0 : i32
    %dma_wait3A_80 = tpu.memref_slice %arg6[%dma_wait3A_76, %dma_wait3A_78, %dma_wait3A_79] : memref<2x1600x32xf32, #tpu.memory_space<vmem>> -> memref<1x1600x32xf32, #tpu.memory_space<vmem>>
    %dma_wait3A_81 = tpu.memref_squeeze %dma_wait3A_80 : memref<1x1600x32xf32, #tpu.memory_space<vmem>> -> memref<1600x32xf32, #tpu.memory_space<vmem>>
    %dma_wait3A_82 = arith.constant 0 : i32
    %dma_wait3A_83 = tpu.memref_slice %arg4[%mul3A_2, %dma_wait3A_82] : memref<3276800x32xf32, #tpu.memory_space<hbm>> -> memref<1600x32xf32, #tpu.memory_space<hbm>>
    %dma_wait3A_84 = tpu.memref_slice %arg9[%dma_wait3A_77] : memref<2x!tpu.dma_semaphore, #tpu.memory_space<semaphore_mem>> -> memref<1x!tpu.dma_semaphore, #tpu.memory_space<semaphore_mem>>
    %dma_wait3A_85 = tpu.memref_squeeze %dma_wait3A_84 : memref<1x!tpu.dma_semaphore, #tpu.memory_space<semaphore_mem>> -> memref<!tpu.dma_semaphore, #tpu.memory_space<semaphore_mem>>
    %dma_wait3A_86 = arith.constant 0 : i32
    %dma_wait3A_87 = tpu.memref_slice %arg4[%mul3A_2, %dma_wait3A_86] : memref<3276800x32xf32, #tpu.memory_space<hbm>> -> memref<1600x32xf32, #tpu.memory_space<hbm>>
    %dma_wait3A_88 = arith.constant 0 : i32
    %dma_wait3A_89 = arith.constant 0 : i32
    %dma_wait3A_90 = tpu.memref_slice %arg6[%dma_wait3A_76, %dma_wait3A_88, %dma_wait3A_89] : memref<2x1600x32xf32, #tpu.memory_space<vmem>> -> memref<1x1600x32xf32, #tpu.memory_space<vmem>>
    %dma_wait3A_91 = tpu.memref_squeeze %dma_wait3A_90 : memref<1x1600x32xf32, #tpu.memory_space<vmem>> -> memref<1600x32xf32, #tpu.memory_space<vmem>>
    tpu.wait_dma2 semaphore(%dma_wait3A_85 : memref<!tpu.dma_semaphore, #tpu.memory_space<semaphore_mem>>) src(%dma_wait3A_91 : memref<1600x32xf32, #tpu.memory_space<vmem>>) dst(%dma_wait3A_87 : memref<1600x32xf32, #tpu.memory_space<hbm>>)
    %dma_wait3A_92 = arith.constant 1 : i32
    %dma_wait3A_93 = arith.constant 1 : i32
    %dma_wait3A_94 = arith.constant 0 : i32
    %dma_wait3A_95 = arith.constant 0 : i32
    %dma_wait3A_96 = tpu.memref_slice %arg6[%dma_wait3A_92, %dma_wait3A_94, %dma_wait3A_95] : memref<2x1600x32xf32, #tpu.memory_space<vmem>> -> memref<1x1600x32xf32, #tpu.memory_space<vmem>>
    %dma_wait3A_97 = tpu.memref_squeeze %dma_wait3A_96 : memref<1x1600x32xf32, #tpu.memory_space<vmem>> -> memref<1600x32xf32, #tpu.memory_space<vmem>>
    %dma_wait3A_98 = arith.constant 0 : i32
    %dma_wait3A_99 = tpu.memref_slice %arg4[%mul3A_2, %dma_wait3A_98] : memref<3276800x32xf32, #tpu.memory_space<hbm>> -> memref<1600x32xf32, #tpu.memory_space<hbm>>
    %dma_wait3A_100 = tpu.memref_slice %arg9[%dma_wait3A_93] : memref<2x!tpu.dma_semaphore, #tpu.memory_space<semaphore_mem>> -> memref<1x!tpu.dma_semaphore, #tpu.memory_space<semaphore_mem>>
    %dma_wait3A_101 = tpu.memref_squeeze %dma_wait3A_100 : memref<1x!tpu.dma_semaphore, #tpu.memory_space<semaphore_mem>> -> memref<!tpu.dma_semaphore, #tpu.memory_space<semaphore_mem>>
    %dma_wait3A_102 = arith.constant 0 : i32
    %dma_wait3A_103 = tpu.memref_slice %arg4[%mul3A_2, %dma_wait3A_102] : memref<3276800x32xf32, #tpu.memory_space<hbm>> -> memref<1600x32xf32, #tpu.memory_space<hbm>>
    %dma_wait3A_104 = arith.constant 0 : i32
    %dma_wait3A_105 = arith.constant 0 : i32
    %dma_wait3A_106 = tpu.memref_slice %arg6[%dma_wait3A_92, %dma_wait3A_104, %dma_wait3A_105] : memref<2x1600x32xf32, #tpu.memory_space<vmem>> -> memref<1x1600x32xf32, #tpu.memory_space<vmem>>
    %dma_wait3A_107 = tpu.memref_squeeze %dma_wait3A_106 : memref<1x1600x32xf32, #tpu.memory_space<vmem>> -> memref<1600x32xf32, #tpu.memory_space<vmem>>
    tpu.wait_dma2 semaphore(%dma_wait3A_101 : memref<!tpu.dma_semaphore, #tpu.memory_space<semaphore_mem>>) src(%dma_wait3A_107 : memref<1600x32xf32, #tpu.memory_space<vmem>>) dst(%dma_wait3A_103 : memref<1600x32xf32, #tpu.memory_space<hbm>>)
    return
  }
}

</mosaic_0001>

<sc_bundles>
// kernel: kernel.3.cloned.1.call-start
scs
__scs_entry_jumppad:
0x0: {  	(pc) =	sbr.rel $0x88, $3  }
0x1: {  	(tag) =	ssettag $0x0;
	lr =	simm.s32 $0x1  }
0x2: {  	[smem:$0x3F9F] =	sst lr;
	_ =	strace $0xD0000000  }
0x3: {  	_ = 	snop  }
0x4: {  	_ = 	snop  }
0x5: {  	_ = 	snop  }
0x6: {  	_ = 	snop  }
0x7: {  	_ = 	snop  }
__scs_overlays_trampoline_lowered:
0x8: {  	[smem:$0x3FAE] =	sst s0  }
0x9: {  	[smem:$0x3FAF] =	sst s1  }
0xa: {  	[smem:$0x3FB0] =	sst s2  }
0xb: {  	[smem:$0x3FB1] =	sst s3  }
0xc: {  	[smem:$0x3FB2] =	sst s4  }
0xd: {  	[smem:$0x3FB3] =	sst s5  }
0xe: {  	[smem:$0x3FB4] =	sst s6  }
0xf: {  	[smem:$0x3FB5] =	sst s7  }
0x10: {  	[smem:$0x3FB6] =	sst s8  }
0x11: {  	[smem:$0x3FB7] =	sst s9;
	s0 =	simm.s32 @!p0 $0x0  }
0x12: {  	s1 =	sld [smem:$0x3F9D];
	s0 =	simm.s32 @p0 $0x1  }
0x13: {  	[smem:$0x3FB8] =	sst s0;
	s0 =	simm.s32 @!p1 $0x0  }
0x14: {  	s2 =	sld [smem:$0x3F9C];
	s0 =	simm.s32 @p1 $0x1  }
0x15: {  	[smem:$0x3FB9] =	sst s0;
	s0 =	simm.s32 @!p2 $0x0  }
0x16: {  	s3 =	sld [smem:$0x3FDB];
	s0 =	simm.s32 @p2 $0x1  }
0x17: {  	s4 =	simm.s32 $0x1BF5;
	[smem:$0x3FBB] =	sst s0  }
0x18: {  	s0 =	sld [smem:$0x3F9E];
	_ =	swait.ge [sflag:s4], $0x0  }
0x19: {  	s7 =	sld [smem:$0x3F9F]  }
0x1a: {  	s8 =	sadd.s32 $0xFFFFE003, lr  }
0x1b: {  	s9 =	sadd.s32 $0xFFFFFEF7, lr;
	s5 =	simm.s32 $0xFFFFFFFF;
	p2 =	slt.u32 s8, $0xFFFFF086  }
0x1c: {  	p1 =	slt.u32 s9, $0xF7A;
	s5 =	simm.s32 @!p2 $0x0  }
0x1d: {  	s5 =	simm.s32 @p1 $0x1;
	p0 =	seq.s32 s7, s2  }
0x1e: {  	s7 =	smul.u32 @!p0 $0xF7A, s2;
	p2 =	seq.s32 @!p0 s5, $0x0  }
0x1f: {  	s9 =	smul.u32 $0xF7A, s1;
	s8 =	simm.s32 @!p0 $0x1BF5;
	p2 =	por !p2, p0  }
0x20: {  	[sflag:s8] =	ssyncset.s32 @!p0 $0xFFFFF086;
	s6 =	sadd.s32 @!p0 s3, s7;
	s7 =	simm.s32 @!p0 $0x108  }
0x21: {  	s3 =	sadd.s32 s3, s9;
	s6 =	sadd.s32 @!p0 $0x88, s6;
	s7 =	simm.s32 @p2 $0x1082  }
0x22: {  	[simem:s7], [sflag:s8] =	dma.local @!p0 [hbm:s6], $0xF7A  }
0x23: {  	s9 =	sor.u32 $0xD0000000, s2;
	s6 =	simm.s32 $0x108;
	_ =	swait.ge @!p0 [sflag:s8], $0x0  }
0x24: {  	s3 =	sadd.s32 $0x88, s3;
	s6 =	simm.s32 @!p1 $0x1082;
	[sflag:s4] =	ssyncset.s32 $0xFFFFF086  }
0x25: {  	[simem:s6], [sflag:s4] =	dma.local [hbm:s3], $0xF7A  }
0x26: {  	[smem:$0x3F9F] =	sst s1;
	(tag) =	ssettag s2;
	_ =	strace s9  }
0x27: {  	s1 =	sld [smem:$0x3FAF]  }
0x28: {  	s2 =	sld [smem:$0x3FB0]  }
0x29: {  	s4 =	sld [smem:$0x3FB2]  }
0x2a: {  	p0 =	seq.s32 s5, $0x0;
	s5 =	sld [smem:$0x3FB3]  }
0x2b: {  	s6 =	sld [smem:$0x3FB4]  }
0x2c: {  	s7 =	sld [smem:$0x3FB5]  }
0x2d: {  	s3 =	simm.s32 $0x108;
	s8 =	sld [smem:$0x3FB6]  }
0x2e: {  	s3 =	simm.s32 @!p0 $0x1082;
	s9 =	sld [smem:$0x3FB7]  }
0x2f: {  	lr =	sadd.s32 s0, s3;
	s0 =	sld [smem:$0x3FAE]  }
0x30: {  	s3 =	sld [smem:$0x3FB1]  }
0x31: {  	[smem:$0x3FBA] =	sst s10  }
0x32: {  	s10 =	sld [smem:$0x3FB8];
	_ =	sdelay $0x3  }
0x33: {  	p0 =	seq.s32 s10, $0x1;
	s10 =	sld [smem:$0x3FBA];
	_ =	sdelay $0x3  }
0x34: {  	[smem:$0x3FBA] =	sst s10  }
0x35: {  	s10 =	sld [smem:$0x3FB9];
	_ =	sdelay $0x3  }
0x36: {  	p1 =	seq.s32 s10, $0x1;
	s10 =	sld [smem:$0x3FBA];
	_ =	sdelay $0x3  }
0x37: {  	[smem:$0x3FBA] =	sst s10  }
0x38: {  	s10 =	sld [smem:$0x3FBB]  }
0x39: {  	_ = 	snop;
	(pc) =	sbr.ind lr, $3  }
0x3a: {  	_ = 	snop  }
0x3b: {  	_ = 	snop  }
0x3c: {  	p2 =	seq.s32 s10, $0x1;
	s10 =	sld [smem:$0x3FBA]  }
0x3d: {  	_ =	shalt  }
0x3e: {  	_ =	shalt  }
0x3f: {  	_ =	shalt  }
0x40: {  	_ =	shalt  }
0x41: {  	_ =	shalt  }
0x42: {  	_ =	shalt  }
0x43: {  	_ =	shalt  }
0x44: {  	_ =	shalt  }
0x45: {  	_ =	shalt  }
0x46: {  	_ =	shalt  }
0x47: {  	_ =	shalt  }
0x48: {  	_ =	shalt  }
0x49: {  	_ =	shalt  }
0x4a: {  	_ =	shalt  }
0x4b: {  	_ =	shalt  }
0x4c: {  	_ =	shalt  }
0x4d: {  	_ =	shalt  }
0x4e: {  	_ =	shalt  }
0x4f: {  	_ =	shalt  }
0x50: {  	_ =	shalt  }
0x51: {  	_ =	shalt  }
0x52: {  	_ =	shalt  }
0x53: {  	_ =	shalt  }
0x54: {  	_ =	shalt  }
0x55: {  	_ =	shalt  }
0x56: {  	_ =	shalt  }
0x57: {  	_ =	shalt  }
0x58: {  	_ =	shalt  }
0x59: {  	_ =	shalt  }
0x5a: {  	_ =	shalt  }
0x5b: {  	_ =	shalt  }
0x5c: {  	_ =	shalt  }
0x5d: {  	_ =	shalt  }
0x5e: {  	_ =	shalt  }
0x5f: {  	_ =	shalt  }
0x60: {  	_ =	shalt  }
0x61: {  	_ =	shalt  }
0x62: {  	_ =	shalt  }
0x63: {  	_ =	shalt  }
0x64: {  	_ =	shalt  }
0x65: {  	_ =	shalt  }
0x66: {  	_ =	shalt  }
0x67: {  	_ =	shalt  }
0x68: {  	_ =	shalt  }
0x69: {  	_ =	shalt  }
0x6a: {  	_ =	shalt  }
0x6b: {  	_ =	shalt  }
0x6c: {  	_ =	shalt  }
0x6d: {  	_ =	shalt  }
0x6e: {  	_ =	shalt  }
0x6f: {  	_ =	shalt  }
0x70: {  	_ =	shalt  }
0x71: {  	_ =	shalt  }
0x72: {  	_ =	shalt  }
0x73: {  	_ =	shalt  }
0x74: {  	_ =	shalt  }
0x75: {  	_ =	shalt  }
0x76: {  	_ =	shalt  }
0x77: {  	_ =	shalt  }
0x78: {  	_ =	shalt  }
0x79: {  	_ =	shalt  }
0x7a: {  	_ =	shalt  }
0x7b: {  	_ =	shalt  }
0x7c: {  	_ =	shalt  }
0x7d: {  	_ =	shalt  }
0x7e: {  	_ =	shalt  }
0x7f: {  	_ =	shalt  }
0x80: {  	_ =	shalt  }
0x81: {  	_ =	shalt  }
0x82: {  	_ =	shalt  }
0x83: {  	_ =	shalt  }
0x84: {  	_ =	shalt  }
0x85: {  	_ =	shalt  }
0x86: {  	_ =	shalt  }
0x87: {  	_ =	shalt  }
.Lfunc_end0:
.L_simem_size_0:
called_computation.1_lowered:
.L_overlay_start_0:
0x88: {  	s2 =	sld [smem:$0x3FD9]  }
0x89: {  	s3 =	sld [smem:$0x3FFE];
	_ =	sdelay $0x1  }
0x8a: {  	s1 =	srdreg.scid  }
0x8b: {  	s0 =	sand.u32 $0x1, s1  }
0x8c: {  	s17 =	sshll.u32 s0, $0xA;
	s2 =	sadd.s32 s3, s2  }
0x8d: {  	s2 =	sadd.s32 s2, s17  }
0x8e: {  	[smem:$0x3FC6] =	sst s2  }
0x8f: {  	_ = 	snop  }
0x90: {  	s2 =	sld [smem:$0x3FD0];
	(tm) =	ssettm $0x1  }
0x91: {  	s18 =	sld [smem:$0x3FFB];
	_ =	sdelay $0x3  }
0x92: {  	_ =	strace s18  }
0x93: {  	s3 =	sld [smem:$0x3FFC];
	_ =	sdelay $0x3  }
0x94: {  	_ =	strace s3  }
0x95: {  	s3 =	sld [smem:$0x3FFD];
	_ =	sdelay $0x3  }
0x96: {  	_ =	strace s3  }
0x97: {  	_ =	strace $0x8FFFFFFF  }
0x98: {  	s19 =	sld [smem:$0x3FDB];
	_ =	sdelay $0x1  }
0x99: {  	s4 =	simm.s32 $_scs_section_size  }
0x9a: {  	s5 =	simm.s32 $_size__tile_overlayer_lowered;
	s6 =	simm.s32 $_tile_overlayer_lowered  }
0x9b: {  	s22 =	simm.s32 $0x1BFF;
	s21 =	sshll.u32 s6, $0x1;
	s3 =	sadd.s32 s4, s19  }
0x9c: {  	s7 =	simm.s32 $0x0;
	s20 =	sshll.u32 s5, $0x1;
	s5 =	sadd.s32 s21, s3  }
0x9d: {  	[timem:s7], [sflag:s22] =	dma.local [hbm:s5], s20  }
0x9e: {  	_ =	swait.ge [sflag:s22], s20  }
0x9f: {  	s4 =	ssub.s32 $0x0, s20;
	[sflag:s22] =	ssyncset.done $0x0  }
0xa0: {  	[sflag:s22] =	ssyncadd.s32 s4;
	_ =	sdelay $0x1  }
0xa1: {  	s23 =	simm.s32 $0x1B8B  }
0xa2: {  	_ =	swait.ge [sflag:s23], $0x1  }
0xa3: {  	[sflag:s23] =	ssyncset.done $0x0  }
0xa4: {  	s25 =	simm.s32 $0x1B8E;
	s24 =	sld [smem:$0x3FFE];
	[sflag:s23] =	ssyncadd.s32 $0xFFFFFFFF  }
0xa5: {  	s26 =	simm.s32 $execute0_lowered;
	[smem:$0x3FD2] =	sst s25  }
0xa6: {  	s5 =	sshll.u32 s26, $0x1;
	_ =	strace $0x80000046;
	[dreg:$0x1] =	wrdreg $0xFFFFFFFF  }
0xa7: {  	s28 =	simm.s32 $_size_execute0_lowered;
	s3 =	sadd.s32 s3, s5;
	[dreg:$0x0] =	wrdreg $0x0  }
0xa8: {  	s5 =	sshll.u32 s28, $0x1;
	[dreg:$0x2] =	wrdreg s3  }
0xa9: {  	[dreg:$0x3] =	wrdreg s5  }
0xaa: {  	[dreg:$0x4] =	wrdreg $0xC0  }
0xab: {  	_ =	task [dreg:s7], $0x5FFFF  }
0xac: {  	[dreg:$0x1] =	wrdreg $0xFFFFFFFF  }
0xad: {  	[dreg:$0x0] =	wrdreg $0x60  }
0xae: {  	[dreg:$0x2] =	wrdreg s24  }
0xaf: {  	[dreg:$0x3] =	wrdreg s2  }
0xb0: {  	[dreg:$0x4] =	wrdreg $0x9  }
0xb1: {  	_ =	task.clear_ibuf [dreg:s7], $0x5FFFF;
	_ =	strace $0x90000046  }
0xb2: {  	s29 =	simm.s32 $0x9;
	_ =	strace $0x80000048  }
0xb3: {  	_ =	swait.ge [sflag:s29], $0x1  }
0xb4: {  	[sflag:s29] =	ssyncadd.s32 $0xFFFFFFFF  }
0xb5: {  	_ =	strace $0x90000048  }
0xb6: {  	_ =	sfence  }
0xb7: {  	s30 =	sld [smem:$0x0];
	_ =	sdelay $0x2  }
0xb8: {  	s31 =	sshll.u32 s1, $0xD;
	s1 =	sshrl.u32 s1, $0x2  }
0xb9: {  	s3 =	sand.u32 $0x4000, s31;
	s1 =	sadd.s32 s1, s30  }
0xba: {  	s0 =	sor.u32 s3, s0;
	s1 =	sshll.u32 s1, $0x11  }
0xbb: {  	s0 =	sor.u32 s1, s0  }
0xbc: {  	s0 =	sadd.s32 $0x8F2B, s0  }
0xbd: {  	[sflag:s0] =	ssyncadd.remote.s32 $0x1  }
0xbe: {  	_ =	sfence.sel $0xFFFF  }
0xbf: {  	[dreg:$0x0] =	wrdreg $0xFFFFFFFF;
	(pc) =	sbr.abs _section_cstart, $3  }
0xc0: {  	[dreg:$0x1] =	wrdreg $0xFFFFFFFF  }
0xc1: {  	_ =	task.clear_ibuf [dreg:s7], $0x2FFFF;
	_ =	strace $0x9FFFFFFF  }
0xc2: {  	(tm) =	ssettm $0x7FFFFFFF  }
0xc3: {  	_ =	shalt  }
tec
execute0_lowered:
.L_overlay_start_1:
0x0: {  	(tag) =	ssettag $0x1  }
0x1: {  	s0 =	rddreg [dreg:$0x0]  }
0x2: {  	s12 =	rddreg [dreg:$0x1];
	s3 =	srdreg.scid  }
0x3: {  	s1 =	stileid.u32;
	s2 =	simm.s32 $0x0;
	s18 =	simm.s32 $0xC80  }
0x4: {  	s28 =	simm.s32 $0x6;
	s29 =	simm.s32 $0x0;
	s8 =	smul.u32 $0x32000, s1  }
0x5: {  	s13 =	sand.u32 $0x1, s3;
	s19 =	sshll.u32 s1, $0x1;
	s15 =	smul.u32 $0xC8000, s1  }
0x6: {  	[smem:$0x7FF] =	sst s2;
	s14 =	sadd.s32 $0x800, s0;
	s9 =	smul.u32 $0x19000, s13  }
0x7: {  	s3 =	sadd.s32 $0xFA6C00, s0;
	s4 =	sor.u32 s13, s19;
	s17 =	smul.u32 $0x64000, s13  }
0x8: {  	_ =	strace $0x80000047;
	s20 =	ssub.s32 $0x2, s13;
	s6 =	smul.u32 $0x19000, s4  }
0x9: {  	s19 =	simm.s32 $0x7080;
	s7 =	smul.u32 $0x64000, s4;
	s21 =	sshrl.u32 s20, $0x1  }
0xa: {  	s15 =	sadd.s32 s15, s12;
	s0 =	ssub.s32 s20, s21;
	s22 =	sadd.s32 s9, s8  }
0xb: {  	s31 =	sadd.s32 s17, s15;
	s15 =	simm.s32 $0x640;
	s17 =	simm.s32 $0x320  }
0xc: {  	s20 =	simm.s32 $0x2;
	s21 =	simm.s32 $0xD480;
	s5 =	sshrl.u32 s6, $0x3  }
0xd: {  	s10 =	sor.u32 $0xC80, s6;
	s11 =	sshll.u32 s6, $0x2;
	s0 =	smax.u32 s0, $0x1  }
0xe: {  	s7 =	sadd.s32 s12, s7;
	s25 =	sadd.s32 $0x1F40, s22;
	s16 =	sshll.u32 s22, $0x2  }
0xf: {  	s4 =	sadd.s32 s14, s5;
	[dreg:$0x4] =	wrdreg s0;
	s23 =	sshrl.u32 s10, $0x3  }
0x10: {  	s24 =	sadd.s32 s11, s12;
	s26 =	sshrl.u32 s25, $0x3;
	s0 =	sadd.s32 $0x1900, s22  }
0x11: {  	s30 =	sadd.s32 s12, s16;
	s16 =	simm.s32 $0x1;
	s22 =	simm.s32 $0x960  }
.Ltmp0:
0x12: {  	s25 =	simm.s32 $0x5;
	s5 =	sadd.s32 $0xC8, s4;
	(pc) =	sbr.rel .LBB2_1-.Ltmp0, $4  }
0x13: {  	s8 =	sadd.s32 s14, s23;
	s9 =	sadd.s32 $0x1900, s24;
	s10 =	sadd.s32 $0x258, s4  }
0x14: {  	s11 =	sadd.s32 s26, s14;
	s0 =	sshrl.u32 s0, $0x3;
	s12 =	sadd.s32 $0x4B00, s30  }
0x15: {  	s23 =	simm.s32 $0x13880;
	s24 =	simm.s32 $0x3;
	s26 =	simm.s32 $0x4  }
0x16: {  	[dreg:$0x3] =	wrdreg s5;
	s13 =	sadd.s32 s0, s14;
	s14 =	sadd.s32 $0x3200, s31  }
.LBB2_4:
0x17: {  	_ =	swait.ge [sflag:s25], $0xC800  }
0x18: {  	[sflag:s25] =	ssyncset.done $0x0  }
0x19: {  	[sflag:s25] =	ssyncadd.s32 $0xFFFF3800  }
0x1a: {  	_ =	swait.ge [sflag:s28], $0xC800  }
0x1b: {  	s29 =	sadd.s32 $0x1, s29;
	s0 =	rddreg [dreg:$0x4]  }
0x1c: {  	p0 =	sne.s32 s29, s0  }
.Ltmp1:
0x1d: {  	_ = 	snop;
	(pc) =	sbr.rel @!p0 .LBB2_5-.Ltmp1, $3  }
0x1e: {  	_ =	sdelay $0x1  }
0x1f: {  	[sflag:s28] =	ssyncset.done $0x0  }
0x20: {  	[sflag:s28] =	ssyncadd.s32 $0xFFFF3800  }
.LBB2_1:
0x21: {  	[tilespmem:s2], [sflag:$0x1] =	stream.linear.gather [hbm4b:s4+s2], $0x640, $0x38;
	[tilespmem:$0x19C80] =	vst v63  }
0x22: {  	s0 =	rddreg [dreg:$0x3]  }
0x23: {  	[tilespmem:s15], [sflag:$0x2] =	stream.linear.gather [hbm4b:s0+s2], $0x640, $0x38;
	[tilespmem:$0x19C80] =	vst v63  }
0x24: {  	_ =	swait.ge [sflag:s16], $0x640  }
0x25: {  	[sflag:s16] =	ssyncset.done $0x0  }
0x26: {  	[sflag:s16] =	ssyncadd.s32 $0xFFFFF9C0  }
0x27: {  	[tilespmem:s18], [sflag:$0x3] =	stream.indirect.gather [hbm4b:s3+s17], $0x20, s2, s17, $0xb8;
	[tilespmem:$0x19C80] =	vst v63  }
0x28: {  	_ = 	snop  }
0x29: {  	[tilespmem:s19], [sflag:$0x3] =	stream.indirect.gather [hbm4b:s3+s17], $0x20, s17, s17, $0xb8;
	[tilespmem:$0x19C80] =	vst v63  }
0x2a: {  	_ =	swait.ge [sflag:s20], $0x640  }
0x2b: {  	[sflag:s20] =	ssyncset.done $0x0  }
0x2c: {  	[sflag:s20] =	ssyncadd.s32 $0xFFFFF9C0  }
0x2d: {  	[tilespmem:s21], [sflag:$0x4] =	stream.indirect.gather [hbm4b:s3+s17], $0x20, s15, s17, $0xb8;
	[tilespmem:$0x19C80] =	vst v63  }
0x2e: {  	_ = 	snop  }
0x2f: {  	[tilespmem:s23], [sflag:$0x4] =	stream.indirect.gather [hbm4b:s3+s17], $0x20, s22, s17, $0xb8;
	[tilespmem:$0x19C80] =	vst v63  }
0x30: {  	_ =	swait.ge [sflag:s24], $0x6400  }
0x31: {  	[sflag:s24] =	ssyncset.done $0x0  }
0x32: {  	[sflag:s24] =	ssyncadd.s32 $0xFFFF9C00  }
0x33: {  	_ =	swait.ge [sflag:s24], $0x6400  }
0x34: {  	[sflag:s24] =	ssyncset.done $0x0  }
0x35: {  	[sflag:s24] =	ssyncadd.s32 $0xFFFF9C00  }
0x36: {  	[hbm4b:s7+s2] =	stream.linear.scatter [tilespmem:s18], [sflag:$0x5], $0xC800, $0x38;
	[tilespmem:$0x19C80] =	vst v63  }
0x37: {  	_ = 	snop  }
0x38: {  	[tilespmem:s2], [sflag:$0x1] =	stream.linear.gather [hbm4b:s8+s2], $0x640, $0x38;
	[tilespmem:$0x19C80] =	vst v63  }
0x39: {  	_ =	swait.ge [sflag:s16], $0x640  }
0x3a: {  	[sflag:s16] =	ssyncset.done $0x0  }
0x3b: {  	[sflag:s16] =	ssyncadd.s32 $0xFFFFF9C0  }
0x3c: {  	_ =	swait.ge [sflag:s25], $0xC800  }
0x3d: {  	[sflag:s25] =	ssyncset.done $0x0  }
0x3e: {  	[sflag:s25] =	ssyncadd.s32 $0xFFFF3800  }
0x3f: {  	[tilespmem:s18], [sflag:$0x3] =	stream.indirect.gather [hbm4b:s3+s17], $0x20, s2, s17, $0xb8;
	[tilespmem:$0x19C80] =	vst v63  }
0x40: {  	_ = 	snop  }
0x41: {  	[tilespmem:s19], [sflag:$0x3] =	stream.indirect.gather [hbm4b:s3+s17], $0x20, s17, s17, $0xb8;
	[tilespmem:$0x19C80] =	vst v63  }
0x42: {  	_ =	swait.ge [sflag:s26], $0x6400  }
0x43: {  	[sflag:s26] =	ssyncset.done $0x0  }
0x44: {  	[sflag:s26] =	ssyncadd.s32 $0xFFFF9C00  }
0x45: {  	_ =	swait.ge [sflag:s26], $0x6400  }
0x46: {  	[sflag:s26] =	ssyncset.done $0x0  }
0x47: {  	[sflag:s26] =	ssyncadd.s32 $0xFFFF9C00  }
0x48: {  	[hbm4b:s9+s2] =	stream.linear.scatter [tilespmem:s21], [sflag:$0x6], $0xC800, $0x38;
	[tilespmem:$0x19C80] =	vst v63  }
0x49: {  	s30 =	smov.u32 s14;
	s31 =	smov.u32 s12;
	s0 =	simm.s32 $0x0  }
0x4a: {  	[tilespmem:s15], [sflag:$0x2] =	stream.linear.gather [hbm4b:s10+s2], $0x640, $0x38;
	[tilespmem:$0x19C80] =	vst v63  }
.LBB2_2:
0x4b: {  	_ =	swait.ge [sflag:s20], $0x640  }
0x4c: {  	[sflag:s20] =	ssyncset.done $0x0  }
0x4d: {  	[sflag:s20] =	ssyncadd.s32 $0xFFFFF9C0  }
0x4e: {  	_ =	swait.ge [sflag:s28], $0xC800  }
0x4f: {  	[sflag:s28] =	ssyncset.done $0x0  }
0x50: {  	[sflag:s28] =	ssyncadd.s32 $0xFFFF3800  }
0x51: {  	[tilespmem:s21], [sflag:$0x4] =	stream.indirect.gather [hbm4b:s3+s17], $0x20, s15, s17, $0xb8;
	[tilespmem:$0x19C80] =	vst v63  }
0x52: {  	_ = 	snop  }
0x53: {  	[tilespmem:s23], [sflag:$0x4] =	stream.indirect.gather [hbm4b:s3+s17], $0x20, s22, s17, $0xb8;
	[tilespmem:$0x19C80] =	vst v63  }
0x54: {  	_ =	swait.ge [sflag:s24], $0x6400  }
0x55: {  	[sflag:s24] =	ssyncset.done $0x0  }
0x56: {  	[sflag:s24] =	ssyncadd.s32 $0xFFFF9C00  }
0x57: {  	_ =	swait.ge [sflag:s24], $0x6400  }
0x58: {  	[sflag:s24] =	ssyncset.done $0x0  }
0x59: {  	p0 =	seq.s32 s0, $0x2EE0;
	[sflag:s24] =	ssyncadd.s32 $0xFFFF9C00  }
0x5a: {  	[hbm4b:s30+s2] =	stream.linear.scatter [tilespmem:s18], [sflag:$0x5], $0xC800, $0x38;
	[tilespmem:$0x19C80] =	vst v63  }
0x5b: {  	s1 =	sadd.s32 @!p0 s0, s13;
	s5 =	simm.s32 @!p0 $0x0  }
0x5c: {  	[tilespmem:s5], [sflag:$0x1] =	stream.linear.gather @!p0 [hbm4b:s1+s5], $0x640, $0x38;
	[tilespmem:$0x19C80] =	vst v63  }
0x5d: {  	s1 =	simm.s32 @!p0 $0x1  }
0x5e: {  	_ =	swait.ge @!p0 [sflag:s1], $0x640  }
0x5f: {  	[sflag:s1] =	ssyncset.done @!p0 $0x0  }
0x60: {  	[sflag:s1] =	ssyncadd.s32 @!p0 $0xFFFFF9C0;
	s1 =	simm.s32 @!p0 $0x5  }
0x61: {  	_ =	swait.ge @!p0 [sflag:s1], $0xC800  }
0x62: {  	[sflag:s1] =	ssyncset.done @!p0 $0x0  }
0x63: {  	s6 =	simm.s32 @!p0 $0xC80;
	[sflag:s1] =	ssyncadd.s32 @!p0 $0xFFFF3800;
	s1 =	simm.s32 @!p0 $0x320  }
0x64: {  	[tilespmem:s6], [sflag:$0x3] =	stream.indirect.gather @!p0 [hbm4b:s3+s1], $0x20, s5, s1, $0xb8;
	[tilespmem:$0x19C80] =	vst v63  }
0x65: {  	s5 =	simm.s32 @!p0 $0x7080  }
0x66: {  	[tilespmem:s5], [sflag:$0x3] =	stream.indirect.gather @!p0 [hbm4b:s3+s1], $0x20, s1, s1, $0xb8;
	[tilespmem:$0x19C80] =	vst v63  }
0x67: {  	_ =	swait.ge [sflag:s26], $0x6400  }
0x68: {  	[sflag:s26] =	ssyncset.done $0x0  }
.Ltmp2:
0x69: {  	[sflag:s26] =	ssyncadd.s32 $0xFFFF9C00;
	(pc) =	sbr.rel @p0 .LBB2_4-.Ltmp2, $4  }
0x6a: {  	_ =	swait.ge [sflag:s26], $0x6400  }
0x6b: {  	[sflag:s26] =	ssyncset.done $0x0  }
0x6c: {  	[sflag:s26] =	ssyncadd.s32 $0xFFFF9C00  }
0x6d: {  	[hbm4b:s31+s2] =	stream.linear.scatter [tilespmem:s21], [sflag:$0x6], $0xC800, $0x38;
	[tilespmem:$0x19C80] =	vst v63  }
.Ltmp3:
0x6e: {  	(pc) =	sbr.rel .LBB2_2-.Ltmp3, $4  }
0x6f: {  	_ = 	snop  }
0x70: {  	s1 =	sadd.s32 s0, s11  }
0x71: {  	s0 =	sadd.s32 $0x190, s0;
	s31 =	sadd.s32 $0x3200, s31;
	s30 =	sadd.s32 $0x3200, s30  }
0x72: {  	[tilespmem:s15], [sflag:$0x2] =	stream.linear.gather [hbm4b:s1+s2], $0x640, $0x38;
	[tilespmem:$0x19C80] =	vst v63  }
.LBB2_5:
0x73: {  	_ =	sfence.sel $0x180000  }
0x74: {  	[bflag:$0x0] =	sbarrier.arrive $0xFFFF  }
0x75: {  	_ =	strace $0x90000047  }
0x76: {  	s0 =	stileid.u32;
	[bflag:$0x2] =	sbarrier.arrive $0xFFFF  }
0x77: {  	p0 =	sne.s32 s0, $0x0;
	s0 =	rddreg [dreg:$0x2]  }
0x78: {  	s0 =	sadd.s32 @!p0 $0x100000, s0  }
0x79: {  	[sflag:s0] =	ssyncadd.tile.s32 @!p0 $0x1;
	_ =	shalt  }
.Lfunc_end2:
_tile_overlayer_lowered:
.L_overlay_start_2:
0x7a: {  	(tag) =	ssettag $0x2  }
0x7b: {  	s0 =	rddreg [dreg:$0x0];
	s2 =	stileid.u32  }
0x7c: {  	s1 =	rddreg [dreg:$0x1];
	p0 =	sne.s32 s2, $0x0  }
0x7d: {  	s3 =	rddreg [dreg:$0x2];
	[bflag:$0x3] =	sbarrier.arrive $0xFFFF;
	s2 =	simm.s32 @!p0 $0x1C07  }
0x7e: {  	[timem:s3], [sflag:s2] =	dma.local @!p0 [hbm:s0], s1  }
0x7f: {  	s0 =	simm.s32 @!p0 $0x7  }
0x80: {  	_ =	swait.ge @!p0 [sflag:s0], s1  }
0x81: {  	s1 =	ssub.s32 @!p0 $0x0, s1;
	[sflag:s0] =	ssyncset.done @!p0 $0x0  }
0x82: {  	[sflag:s0] =	ssyncadd.s32 @!p0 s1  }
0x83: {  	[bflag:$0x3] =	sbarrier.arrive $0xFFFF  }
0x84: {  	_ =	shalt  }

// kernel: sparse-core-data-format-call.cloned.1.call-start
scs
called_computation_lowered:
.L_overlay_start_0:
0x0: {  	s2 =	sld [smem:$0x3FD9]  }
0x1: {  	s3 =	sld [smem:$0x3FFE];
	_ =	sdelay $0x1  }
0x2: {  	s1 =	srdreg.scid  }
0x3: {  	s0 =	sand.u32 $0x1, s1  }
0x4: {  	s18 =	sshll.u32 s0, $0xA;
	s2 =	sadd.s32 s3, s2  }
0x5: {  	s2 =	sadd.s32 s2, s18  }
0x6: {  	[smem:$0x3FC6] =	sst s2  }
0x7: {  	_ = 	snop  }
0x8: {  	s2 =	sld [smem:$0x3FD0];
	(tm) =	ssettm $0x1  }
0x9: {  	s19 =	sld [smem:$0x3FFB];
	_ =	sdelay $0x3  }
0xa: {  	_ =	strace s19  }
0xb: {  	s3 =	sld [smem:$0x3FFC];
	_ =	sdelay $0x3  }
0xc: {  	_ =	strace s3  }
0xd: {  	s3 =	sld [smem:$0x3FFD];
	_ =	sdelay $0x3  }
0xe: {  	_ =	strace s3  }
0xf: {  	_ =	strace $0x8FFFFFFF  }
0x10: {  	s20 =	sld [smem:$0x3FDB];
	_ =	sdelay $0x1  }
0x11: {  	s4 =	simm.s32 $_scs_section_size  }
0x12: {  	s5 =	simm.s32 $_size__tile_overlayer_lowered;
	s6 =	simm.s32 $_tile_overlayer_lowered  }
0x13: {  	s23 =	simm.s32 $0x1BFF;
	s22 =	sshll.u32 s6, $0x1;
	s3 =	sadd.s32 s4, s20  }
0x14: {  	s7 =	simm.s32 $0x0;
	s21 =	sshll.u32 s5, $0x1;
	s5 =	sadd.s32 s22, s3  }
0x15: {  	[timem:s7], [sflag:s23] =	dma.local [hbm:s5], s21  }
0x16: {  	_ =	swait.ge [sflag:s23], s21  }
0x17: {  	s4 =	ssub.s32 $0x0, s21;
	[sflag:s23] =	ssyncset.done $0x0  }
0x18: {  	[sflag:s23] =	ssyncadd.s32 s4;
	_ =	sdelay $0x1  }
0x19: {  	s24 =	simm.s32 $0x1B8B  }
0x1a: {  	_ =	swait.ge [sflag:s24], $0x1  }
0x1b: {  	[sflag:s24] =	ssyncset.done $0x0  }
0x1c: {  	s26 =	simm.s32 $0x1B8E;
	s25 =	sld [smem:$0x3FFE];
	[sflag:s24] =	ssyncadd.s32 $0xFFFFFFFF  }
0x1d: {  	s27 =	simm.s32 $execute0_lowered;
	[smem:$0x3FD2] =	sst s26  }
0x1e: {  	s5 =	sshll.u32 s27, $0x1;
	_ =	strace $0x80000049;
	[dreg:$0x1] =	wrdreg $0xFFFFFFFF  }
0x1f: {  	s28 =	simm.s32 $_size_execute0_lowered;
	s3 =	sadd.s32 s3, s5;
	[dreg:$0x0] =	wrdreg $0x0  }
0x20: {  	s5 =	sshll.u32 s28, $0x1;
	[dreg:$0x2] =	wrdreg s3  }
0x21: {  	[dreg:$0x3] =	wrdreg s5  }
0x22: {  	[dreg:$0x4] =	wrdreg $0xC0  }
0x23: {  	_ =	task [dreg:s7], $0x5FFFF  }
0x24: {  	[dreg:$0x1] =	wrdreg $0xFFFFFFFF  }
0x25: {  	[dreg:$0x0] =	wrdreg $0x60  }
0x26: {  	[dreg:$0x2] =	wrdreg s25  }
0x27: {  	[dreg:$0x3] =	wrdreg s2  }
0x28: {  	[dreg:$0x4] =	wrdreg $0x9  }
0x29: {  	_ =	task.clear_ibuf [dreg:s7], $0x5FFFF;
	_ =	strace $0x90000049  }
0x2a: {  	s29 =	simm.s32 $0x9;
	_ =	strace $0x8000004B  }
0x2b: {  	_ =	swait.ge [sflag:s29], $0x1  }
0x2c: {  	[sflag:s29] =	ssyncadd.s32 $0xFFFFFFFF  }
0x2d: {  	_ =	strace $0x9000004B  }
0x2e: {  	_ =	sfence  }
0x2f: {  	s30 =	sld [smem:$0x0];
	_ =	sdelay $0x2  }
0x30: {  	s31 =	sshll.u32 s1, $0xD;
	s1 =	sshrl.u32 s1, $0x2  }
0x31: {  	s3 =	sand.u32 $0x4000, s31;
	s1 =	sadd.s32 s1, s30  }
0x32: {  	s0 =	sor.u32 s3, s0;
	s1 =	sshll.u32 s1, $0x11  }
0x33: {  	s0 =	sor.u32 s1, s0  }
0x34: {  	s0 =	sadd.s32 $0x8F2B, s0  }
0x35: {  	[sflag:s0] =	ssyncadd.remote.s32 $0x1  }
0x36: {  	_ =	sfence.sel $0xFFFF  }
0x37: {  	[dreg:$0x0] =	wrdreg $0xFFFFFFFF;
	(pc) =	sbr.abs _section_cstart, $3  }
0x38: {  	[dreg:$0x1] =	wrdreg $0xFFFFFFFF  }
0x39: {  	_ =	task.clear_ibuf [dreg:s7], $0x2FFFF;
	_ =	strace $0x9FFFFFFF  }
0x3a: {  	(tm) =	ssettm $0x7FFFFFFF  }
0x3b: {  	_ =	shalt  }
tec
execute0_lowered:
.L_overlay_start_1:
0x0: {  	(tag) =	ssettag $0x1  }
0x1: {  	s0 =	srdreg.scid  }
0x2: {  	s1 =	sshll.u32 s0, $0x4  }
0x3: {  	s0 =	stileid.u32;
	s1 =	sand.u32 $0x10, s1  }
0x4: {  	s1 =	sor.u32 s0, s1  }
0x5: {  	s6 =	rddreg [dreg:$0x0];
	s4 =	simm.s32 $0x1;
	s2 =	sshll.u32 s1, $0x7  }
0x6: {  	s7 =	simm.s32 $0x2;
	s12 =	simm.s32 $0x0;
	s1 =	ssub.s32 $0x4000, s2  }
0x7: {  	s8 =	simm.s32 $0x20000;
	s13 =	simm.s32 $0x0;
	s3 =	sand.u32 $0xF80, s1  }
0x8: {  	s9 =	simm.s32 $0x0;
	s5 =	sshrl.u32 s1, $0xC;
	p0 =	sne.s32 s3, $0x0  }
.Ltmp0:
0x9: {  	s1 =	rddreg [dreg:$0x2];
	s4 =	simm.s32 @!p0 $0x0;
	(pc) =	sbr.rel .LBB1_1-.Ltmp0, $4  }
0xa: {  	s11 =	simm.s32 $0x0;
	s3 =	rddreg [dreg:$0x1];
	s5 =	sadd.s32 s4, s5  }
0xb: {  	_ =	strace $0x8000004A;
	s4 =	simm.s32 $0x1;
	s5 =	smul.u32 $0xC8, s5  }
0xc: {  	s6 =	sadd.s32 $0x800, s6;
	s10 =	smov.u32 s2;
	[sflag:s4] =	ssyncpa.u1 $0x0  }
0xd: {  	p0 =	por $0x0, $0x0;
	[sflag:s7] =	ssyncpa.u1 $0x0;
	s7 =	sor.u32 $0x1, s5  }
.LBB1_4:
0xe: {  	s16 =	sshll.u32 s13, $0x3;
	s17 =	sand.u32 $0x78, s13  }
0xf: {  	s30 =	sand.u32 $0xF800, s13;
	s12 =	sshll.u32 s12, $0x10;
	s16 =	sand.u32 $0x3C00, s16  }
0x10: {  	s31 =	sand.u32 $0x7, s13;
	s16 =	sor.u32 s17, s16;
	s17 =	sadd.s32 s3, s30  }
0x11: {  	s13 =	sshll.u32 s31, $0x12;
	s16 =	sshrl.u32 s16, $0x3;
	s12 =	sadd.s32 s12, s17  }
0x12: {  	[tilespmem:s15+$0x0 ss:$0x81] =	vst.msk $0xffff, v0;
	s13 =	sor.u32 $0x400, s13;
	s12 =	sadd.s32 s16, s12  }
0x13: {  	[hbm4b:s12+s13] =	stream.strided.scatter [tilespmem:s14], [sflag:$0x2], $0x1000, s8, s13, $0x20;
	[tilespmem:$0x4040] =	vst v63  }
.LBB1_5:
0x14: {  	s14 =	sadd.s32 $0x1, s9  }
0x15: {  	s12 =	sadd.s32 $0x1000, s10;
	s16 =	smov.u32 s10;
	p2 =	sgt.s32 s14, $0xC7  }
0x16: {  	s16 =	smov.u32 @p2 s12  }
0x17: {  	s14 =	simm.s32 @p2 $0x0;
	p2 =	sgt.s32 s16, $0x3FFF  }
0x18: {  	s16 =	smov.u32 @p2 s2;
	p2 =	sne.s32 s11, s7  }
.Ltmp1:
0x19: {  	p1 =	slt.u32 s11, $0x2;
	(pc) =	sbr.rel @!p2 .LBB1_6-.Ltmp1, $4  }
0x1a: {  	s15 =	simm.s32 @!p1 $0x2  }
0x1b: {  	s13 =	smov.u32 s10;
	p0 =	por !p0, !p0;
	_ =	swait.ge @!p1 [sflag:s15], $0x1000  }
0x1c: {  	s12 =	smov.u32 s9;
	[sflag:s15] =	ssyncset.done @!p1 $0x0;
	s9 =	smov.u32 s14  }
0x1d: {  	s11 =	sadd.s32 $0x1, s11;
	[sflag:s15] =	ssyncadd.s32 @!p1 $0xFFFFF000;
	s10 =	smov.u32 s16  }
.LBB1_1:
0x1e: {  	p1 =	sge.u32 s11, s5  }
0x1f: {  	s14 =	sand.u32 @!p1 $0x1FFFFFF, s9  }
0x20: {  	s15 =	smulhi.u32 @!p1 $0x147AE15, s14;
	_ =	sdelay $0x1  }
0x21: {  	s15 =	smul.u32 @!p1 $0xC8, s15  }
0x22: {  	s16 =	sxor.u32 @!p1 $0xFFFFFFFF, s11;
	s17 =	smul.u32 @!p1 $0xC80, s10  }
0x23: {  	s31 =	sadd.s32 $0xFFFFFFFF, s11;
	s16 =	sshll.u32 @!p1 s16, $0xC;
	s14 =	ssub.s32 @!p1 s14, s15  }
0x24: {  	s15 =	sand.u32 @!p1 $0x1000, s16;
	s16 =	sadd.s32 @!p1 s6, s17;
	s14 =	sshll.u32 @!p1 s14, $0x4  }
0x25: {  	s17 =	simm.s32 @!p1 $0x6400;
	s14 =	sadd.s32 @!p1 s14, s16;
	s16 =	simm.s32 @!p1 $0x20  }
0x26: {  	[tilespmem:s15], [sflag:$0x1] =	stream.strided.gather @!p1 [hbm4b:s14+s16], $0x1000, s17, s16, $0x38;
	[tilespmem:$0x4040] =	vst v63  }
0x27: {  	p1 =	sge.u32 s31, s5  }
.Ltmp2:
0x28: {  	_ = 	snop;
	(pc) =	sbr.rel @p1 .LBB1_5-.Ltmp2, $1  }
0x29: {  	_ =	sdelay $0x3  }
0x2a: {  	s14 =	simm.s32 $0x1  }
0x2b: {  	_ =	swait.ge [sflag:s4], $0x1000;
	s14 =	simm.s32 @!p0 $0x0  }
0x2c: {  	[sflag:s4] =	ssyncset.done $0x0;
	s15 =	sshll.u32 s14, $0xC  }
0x2d: {  	[sflag:s4] =	ssyncadd.s32 $0xFFFFF000;
	s18 =	sor.u32 $0x10, s15  }
0x2e: {  	s14 =	smul.u32 $0x4080, s14;
	v1 =	vld [tilespmem:s18+$0x0]  }
0x2f: {  	s30 =	sand.u32 $0x1, s11;
	v0 =	vld [tilespmem:s18+$0xFFFFFFF0]  }
0x30: {  	s15 =	smul.u32 $0x4080, s30;
	s14 =	sshrl.u32 s14, $0x2  }
0x31: {  	s16 =	sor.u32 $0x2000, s14  }
0x32: {  	s31 =	sshrl.u32 s15, $0x2;
	s15 =	sadd.s32 $0x0, s16  }
0x33: {  	s17 =	simm.s32 $0x4;
	s18 =	sadd.s32 $0x20, s18;
	s14 =	sor.u32 $0x2000, s31;
	[tilespmem:s15+$0x810 ss:$0x81] =	vst.msk $0xffff, v1  }
.LBB1_3:
0x34: {  	v1 =	vld [tilespmem:s18+$0x0];
	p1 =	sne.s32 s17, $0x1FC;
	[tilespmem:s15+$0x0 ss:$0x81] =	vst.msk $0xffff, v0;
	s15 =	smov.u32 s17;
	s17 =	sadd.s32 $0x4, s17  }
.Ltmp3:
0x35: {  	v0 =	vld [tilespmem:s18+$0xFFFFFFF0];
	(pc) =	sbr.rel @p1 .LBB1_3-.Ltmp3, $4  }
0x36: {  	_ = 	snop  }
0x37: {  	s15 =	sshra.s32 s15, $0x2  }
0x38: {  	s15 =	sadd.s32 s15, s16  }
0x39: {  	s18 =	sadd.s32 $0x20, s18;
	[tilespmem:s15+$0x810 ss:$0x81] =	vst.msk $0xffff, v1  }
.Ltmp4:
0x3a: {  	_ = 	snop;
	(pc) =	sbr.rel .LBB1_4-.Ltmp4, $1  }
0x3b: {  	_ =	sdelay $0x3  }
.LBB1_6:
0x3c: {  	_ =	sfence.sel $0x180000  }
0x3d: {  	s2 =	simm.s32 $0x1;
	[bflag:$0x0] =	sbarrier.arrive $0xFFFF  }
0x3e: {  	s31 =	simm.s32 $0x2;
	[sflag:s2] =	ssyncpa.u1 $0x1  }
0x3f: {  	[sflag:s31] =	ssyncpa.u1 $0x1  }
0x40: {  	p0 =	sne.s32 s0, $0x0;
	_ =	strace $0x9000004A  }
0x41: {  	s0 =	sadd.s32 @!p0 $0x100000, s1;
	[bflag:$0x2] =	sbarrier.arrive $0xFFFF  }
0x42: {  	[sflag:s0] =	ssyncadd.tile.s32 @!p0 $0x1;
	_ =	shalt  }
.Lfunc_end1:
_tile_overlayer_lowered:
.L_overlay_start_2:
0x43: {  	(tag) =	ssettag $0x2  }
0x44: {  	s0 =	rddreg [dreg:$0x0];
	s2 =	stileid.u32  }
0x45: {  	s1 =	rddreg [dreg:$0x1];
	p0 =	sne.s32 s2, $0x0  }
0x46: {  	s3 =	rddreg [dreg:$0x2];
	[bflag:$0x3] =	sbarrier.arrive $0xFFFF;
	s2 =	simm.s32 @!p0 $0x1C01  }
0x47: {  	[timem:s3], [sflag:s2] =	dma.local @!p0 [hbm:s0], s1  }
0x48: {  	s0 =	simm.s32 @!p0 $0x1  }
0x49: {  	_ =	swait.ge @!p0 [sflag:s0], s1  }
0x4a: {  	s1 =	ssub.s32 @!p0 $0x0, s1;
	[sflag:s0] =	ssyncset.done @!p0 $0x0  }
0x4b: {  	[sflag:s0] =	ssyncadd.s32 @!p0 s1  }
0x4c: {  	[bflag:$0x3] =	sbarrier.arrive $0xFFFF  }
0x4d: {  	_ =	shalt  }

</sc_bundles>
